<compile_context>
chip_gen: v7x
topology: tpu7x:2x2x1
jax: 0.10.2.dev20260603
libtpu: 0.0.44.dev20260713+nightly
codegen_flags: <defaults>
</compile_context>

<pallas_src>
import functools

import jax
import jax.numpy as jnp
from jax import lax
from jax.experimental import pallas as pl
from jax.experimental.pallas import tpu as pltpu
from jax.experimental.pallas import tpu_sc as plsc

NCORE = 2
NSUB = 16
NW = NCORE * NSUB
KCMAX = 512


def _cdiv(a, b):
    return (a + b - 1) // b


def _make_agg(N, NA, F, GPW, KC, with_deg=False):
    assert GPW % 2 == 0 and GPW >= 2
    RPS = NA // NSUB
    trash = NA - N
    mesh = plsc.VectorSubcoreMesh(core_axis_name="c", subcore_axis_name="s")

    out_t = jax.ShapeDtypeStruct((NCORE * NA, F), jnp.float32)
    if with_deg:
        out_t = (out_t, jax.ShapeDtypeStruct((NW, NA), jnp.float32))

    @functools.partial(
        pl.kernel,
        out_type=out_t,
        mesh=mesh,
        compiler_params=pltpu.CompilerParams(
            use_tc_tiling_on_sc=False, needs_layout_passes=not with_deg),
        scratch_types=(
            [pltpu.VMEM_SHARED((NA, F), jnp.float32)]
            + [pltpu.VMEM((GPW, KC), jnp.int32)] * 2
            + [pltpu.VMEM((KC, F), jnp.float32)] * 2
            + ([pltpu.VMEM((NA,), jnp.float32)] if with_deg else [])
            + [pltpu.SemaphoreType.DMA] * 4
        ),
    )
    def agg(ei_hbm, y_hbm, zz_hbm, *rest):
        if with_deg:
            out_hbm, deg_hbm, acc = rest[0], rest[1], rest[2]
            sidx, didx, r0, r1, degb = rest[3:8]
            sems = rest[8:12]
        else:
            out_hbm, acc = rest[0], rest[1]
            sidx, didx, r0, r1 = rest[2:6]
            degb = None
            sems = rest[6:10]
        rows = (r0, r1)
        semG = sems[0:2]
        semS = sems[2:4]
        RG = ei_hbm.shape[1]
        LAST = RG - (NW - 1) * GPW
        cid = lax.axis_index("c")
        sid = lax.axis_index("s")
        wid = cid * NSUB + sid

        @pl.when(wid < NW - 1)
        def _():
            pltpu.sync_copy(ei_hbm.at[0, pl.ds(wid * GPW, GPW)], sidx)
            pltpu.sync_copy(ei_hbm.at[1, pl.ds(wid * GPW, GPW)], didx)

        @pl.when(wid == NW - 1)
        def _():
            pltpu.sync_copy(ei_hbm.at[0, pl.ds(wid * GPW, LAST)],
                            sidx.at[pl.ds(0, LAST)])
            pltpu.sync_copy(ei_hbm.at[1, pl.ds(wid * GPW, LAST)],
                            didx.at[pl.ds(0, LAST)])
            lanes = lax.iota(jnp.int32, 16)
            PC = KC // 16

            @pl.loop(0, (GPW - LAST) * PC)
            def _(t):
                r = LAST + t // PC
                c = (t % PC) * 16
                g = t * 16 + lanes
                sidx[r, pl.ds(c, 16)] = lax.rem(g, N)
                didx[r, pl.ds(c, 16)] = N + lax.rem(g, trash)

        pltpu.sync_copy(zz_hbm.at[pl.ds(sid * RPS, RPS)],
                        acc.at[pl.ds(sid * RPS, RPS)])
        pltpu.async_copy(y_hbm.at[sidx.at[0]], rows[0], semG[0])

        if with_deg:
            zero16 = jnp.zeros((16,), jnp.float32)
            one16 = jnp.ones((16,), jnp.float32)
            PC = KC // 16

            @pl.loop(0, NA // 16)
            def _(t):
                degb[pl.ds(t * 16, 16)] = zero16

            @pl.loop(0, GPW * PC)
            def _(t):
                idx = didx[t // PC, pl.ds((t % PC) * 16, 16)]
                plsc.addupdate_scatter(degb, [idx], one16)

        plsc.subcore_barrier()

        def body(g, a):
            b = 1 - a
            pltpu.make_async_copy(
                y_hbm.at[sidx.at[0]], rows[a], semG[a]).wait()

            @pl.when(g >= 1)
            def _():
                pltpu.make_async_copy(
                    rows[b], acc.at[didx.at[0]], semS[b]).wait()

            @pl.when(g + 1 < GPW)
            def _():
                pltpu.async_copy(y_hbm.at[sidx.at[g + 1]], rows[b], semG[b])

            pltpu.async_copy(
                rows[a], acc.at[didx.at[g]], semS[a], add=True)

        @pl.loop(0, GPW // 2)
        def _(t):
            body(2 * t, 0)
            body(2 * t + 1, 1)

        pltpu.make_async_copy(
            rows[1], acc.at[didx.at[0]], semS[1]).wait()
        if with_deg:
            pltpu.sync_copy(degb, deg_hbm.at[wid])
        plsc.subcore_barrier()
        pltpu.sync_copy(acc.at[pl.ds(sid * RPS, RPS)],
                        out_hbm.at[pl.ds(cid * NA + sid * RPS, RPS)])

    return agg


def _pre_body(d, x_ref, w1_ref, y_ref):
    y_ref[...] = jnp.dot(x_ref[...], w1_ref[d:2 * d, :],
                         preferred_element_type=jnp.float32)


def _rdeg(d_ref, n):
    ones_col = jnp.ones((NW, 1), jnp.float32)
    deg = lax.dot_general(d_ref[...], ones_col, (((0,), (0,)), ((), ())),
                          preferred_element_type=jnp.float32)
    return 1.0 / jnp.maximum(deg[0:n], 1.0)


def _mid_body(n, na, d, f1, a_ref, deg_ref, x_ref, w1_ref, b1_ref, w2_ref,
              z_ref, h1a_ref):
    s = a_ref[0:n, :] + a_ref[na:na + n, :]
    rdeg = _rdeg(deg_ref, n)
    xa = jnp.dot(x_ref[...], w1_ref[0:d, :], preferred_element_type=jnp.float32)
    h1 = jnp.maximum(xa + s * rdeg + b1_ref[...].reshape(1, -1), 0.0)
    z_ref[...] = jnp.dot(h1, w2_ref[f1:2 * f1, :],
                         preferred_element_type=jnp.float32)
    h1a_ref[...] = jnp.dot(h1, w2_ref[0:f1, :],
                           preferred_element_type=jnp.float32)


def _post_body(n, na, a_ref, deg_ref, h1a_ref, b2_ref, w3_ref, b3_ref,
               out_ref):
    s2 = a_ref[0:n, :] + a_ref[na:na + n, :]
    mean2 = s2 * _rdeg(deg_ref, n)
    h2 = jnp.maximum(h1a_ref[...] + mean2 + b2_ref[...].reshape(1, -1), 0.0)
    out_ref[...] = (jnp.dot(h2, w3_ref[...], preferred_element_type=jnp.float32)
                    + b3_ref[...].reshape(1, 1))


def kernel(x, edge_index, W1, b1, W2, b2, W3, b3):
    N, D = x.shape
    E = edge_index.shape[1]
    F1 = W1.shape[1]
    F2 = W2.shape[1]
    KC1, KC2 = 256, 512
    assert E % KC1 == 0 and E % KC2 == 0
    GPW1 = _cdiv(E // KC1, NW * 2) * 2
    GPW2 = _cdiv(E // KC2, NW * 2) * 2
    NA = _cdiv(N + 1, NSUB * 8) * NSUB * 8

    ei1 = edge_index.reshape(2, E // KC1, KC1)
    ei2 = edge_index.reshape(2, E // KC2, KC2)

    FA = F1

    zz1 = jnp.zeros((NA, FA), jnp.float32)
    zz2 = jnp.zeros((NA, F2), jnp.float32)

    yaug = pl.pallas_call(
        functools.partial(_pre_body, D),
        out_shape=jax.ShapeDtypeStruct((N, FA), jnp.float32),
    )(x, W1)

    r1, deg = _make_agg(N, NA, FA, GPW1, KC1, with_deg=True)(ei1, yaug, zz1)

    z, h1a = pl.pallas_call(
        functools.partial(_mid_body, N, NA, D, F1),
        out_shape=(
            jax.ShapeDtypeStruct((N, F2), jnp.float32),
            jax.ShapeDtypeStruct((N, F2), jnp.float32),
        ),
    )(r1, deg, x, W1, b1, W2)

    r2 = _make_agg(N, NA, F2, GPW2, KC2)(ei2, z, zz2)

    out = pl.pallas_call(
        functools.partial(_post_body, N, NA),
        out_shape=jax.ShapeDtypeStruct((N, 1), jnp.float32),
    )(r2, deg, h1a, b2, W3, b3)

    return out

# --- scband reference (transcript-rebuilt; emitter-appended) ---
"""Pipeline reference for scband-fae-sageconv-77653008712165 (READ-ONLY COPY).

The authoritative reference and input builder live on the scoring server;
editing this copy changes nothing except your own understanding.
"""

import jax, jax.numpy as jnp
import numpy as np

N = 10000
E = 320000
D = 128


def setup_inputs(seed: int = 0) -> dict:
    key = jax.random.key(seed)
    ks = jax.random.split(key, 10)
    x = jax.random.normal(ks[0], (N, D), dtype=jnp.float32)
    edge_index = jax.random.randint(ks[1], (2, E), 0, N, dtype=jnp.int32)
    # SAGEConv(128, 64, concat=True): weight over [x || mean_aggr] -> [2*128, 64]
    W1 = jax.random.normal(ks[2], (2 * D, 64), dtype=jnp.float32) * 0.05
    b1 = jnp.zeros((64,), dtype=jnp.float32)
    # SAGEConv(64, 32, concat=True): [2*64, 32]
    W2 = jax.random.normal(ks[3], (2 * 64, 32), dtype=jnp.float32) * 0.05
    b2 = jnp.zeros((32,), dtype=jnp.float32)
    # Linear(32, 1)
    W3 = jax.random.normal(ks[4], (32, 1), dtype=jnp.float32) * 0.05
    b3 = jnp.zeros((1,), dtype=jnp.float32)
    return {"x": x, "edge_index": edge_index, "W1": W1, "b1": b1, "W2": W2, "b2": b2, "W3": W3, "b3": b3}


def _sage_conv(x, edge_index, W, b):
    # SAGEConv with concat=True: gather src features, mean-aggregate by dst,
    # concat [x, aggr], then linear.
    src = edge_index[0]
    dst = edge_index[1]
    n = x.shape[0]
    msgs = jnp.take(x, src, axis=0)
    summed = jax.ops.segment_sum(msgs, dst, num_segments=n)
    deg = jax.ops.segment_sum(jnp.ones((edge_index.shape[1],), dtype=x.dtype), dst, num_segments=n)
    mean_aggr = summed / jnp.clip(deg, 1.0)[:, None]
    h = jnp.concatenate([x, mean_aggr], axis=-1)
    return h @ W + b


def reference(x, edge_index, W1, b1, W2, b2, W3, b3):
    h = jax.nn.relu(_sage_conv(x, edge_index, W1, b1))
    h = jax.nn.relu(_sage_conv(h, edge_index, W2, b2))
    out = h @ W3 + b3
    return out

if __name__ == "__main__":
    import jax
    _d = setup_inputs()
    print(jax.jit(kernel)(*tuple(_d.values())))

</pallas_src>

<mosaic_0001>
#map = affine_map<(d0, d1) -> (0, 0, 0)>
#map1 = affine_map<(d0, d1) -> (0, 0)>
module attributes {stable_mosaic.version = 14 : i64} {
  func.func @agg(%arg0: i32, %arg1: i32, %arg2: memref<2x1250x256xi32, #tpu.memory_space<hbm>>, %arg3: memref<10000x64xf32, #tpu.memory_space<hbm>>, %arg4: memref<10112x64xf32, #tpu.memory_space<hbm>>, %arg5: memref<20224x64xf32, #tpu.memory_space<hbm>>, %arg6: memref<32x10112xf32, #tpu.memory_space<hbm>>, %arg7: memref<10112x64xf32, #tpu.memory_space<vmem_shared>>, %arg8: memref<40x256xi32, #tpu.memory_space<vmem>>, %arg9: memref<40x256xi32, #tpu.memory_space<vmem>>, %arg10: memref<256x64xf32, #tpu.memory_space<vmem>>, %arg11: memref<256x64xf32, #tpu.memory_space<vmem>>, %arg12: memref<10112xf32, #tpu.memory_space<vmem>>, %arg13: memref<!tpu.dma_semaphore, #tpu.memory_space<semaphore_mem>>, %arg14: memref<!tpu.dma_semaphore, #tpu.memory_space<semaphore_mem>>, %arg15: memref<!tpu.dma_semaphore, #tpu.memory_space<semaphore_mem>>, %arg16: memref<!tpu.dma_semaphore, #tpu.memory_space<semaphore_mem>>) attributes {dimension_semantics = [#tpu.dimension_semantics<core_parallel>, #tpu.dimension_semantics<subcore_parallel>], iteration_bounds = array<i64: 2, 16>, scalar_prefetch = 0 : i64, scratch_operands = 10 : i64, tpu.core_type = #tpu.core_type<sc_vector_subcore>, window_params = [{transform_indices = #map}, {transform_indices = #map1}, {transform_indices = #map1}, {transform_indices = #map1}, {transform_indices = #map1}]} {
    %mul3A = arith.constant 16 : i32
    %mul3A_0 = arith.muli %arg0, %mul3A : i32
    %add3A = arith.addi %mul3A_0, %arg1 : i32
    %lt3A = arith.constant 31 : i32
    %lt3A_1 = arith.cmpi slt, %add3A, %lt3A : i32
    %convert_element_type3A = arith.extui %lt3A_1 : i1 to i32
    %cond3A = arith.constant 0 : i32
    %cond3A_2 = arith.cmpi ne, %convert_element_type3A, %cond3A : i32
    scf.if %cond3A_2 {
      %mul3A_48 = arith.constant 40 : i32
      %mul3A_49 = arith.muli %add3A, %mul3A_48 : i32
      %run_scoped3A = arith.constant 0 : i32
      "tpu.region"() ({
        %run_scoped3A_53 = tpu.sem_alloc : memref<!tpu.dma_semaphore, #tpu.memory_space<semaphore_mem>>
        %dma_start3A_54 = arith.constant 0 : i32
        %dma_start3A_55 = tpu.memref_slice %arg2[%run_scoped3A, %mul3A_49, %dma_start3A_54] : memref<2x1250x256xi32, #tpu.memory_space<hbm>> -> memref<1x40x256xi32, #tpu.memory_space<hbm>>
        %dma_start3A_56 = tpu.memref_squeeze %dma_start3A_55 : memref<1x40x256xi32, #tpu.memory_space<hbm>> -> memref<40x256xi32, #tpu.memory_space<hbm>>
        %dma_start3A_57 = arith.constant 0 : i32
        %dma_start3A_58 = tpu.memref_slice %arg2[%run_scoped3A, %mul3A_49, %dma_start3A_57] : memref<2x1250x256xi32, #tpu.memory_space<hbm>> -> memref<1x40x256xi32, #tpu.memory_space<hbm>>
        %dma_start3A_59 = tpu.memref_squeeze %dma_start3A_58 : memref<1x40x256xi32, #tpu.memory_space<hbm>> -> memref<40x256xi32, #tpu.memory_space<hbm>>
        tpu.enqueue_dma source(%dma_start3A_59 : memref<40x256xi32, #tpu.memory_space<hbm>>) target(%arg8 : memref<40x256xi32, #tpu.memory_space<vmem>>) target_semaphore(%run_scoped3A_53 : memref<!tpu.dma_semaphore, #tpu.memory_space<semaphore_mem>>)
        %dma_wait3A_60 = arith.constant 0 : i32
        %dma_wait3A_61 = tpu.memref_slice %arg2[%run_scoped3A, %mul3A_49, %dma_wait3A_60] : memref<2x1250x256xi32, #tpu.memory_space<hbm>> -> memref<1x40x256xi32, #tpu.memory_space<hbm>>
        %dma_wait3A_62 = tpu.memref_squeeze %dma_wait3A_61 : memref<1x40x256xi32, #tpu.memory_space<hbm>> -> memref<40x256xi32, #tpu.memory_space<hbm>>
        %dma_wait3A_63 = arith.constant 0 : i32
        %dma_wait3A_64 = tpu.memref_slice %arg2[%run_scoped3A, %mul3A_49, %dma_wait3A_63] : memref<2x1250x256xi32, #tpu.memory_space<hbm>> -> memref<1x40x256xi32, #tpu.memory_space<hbm>>
        %dma_wait3A_65 = tpu.memref_squeeze %dma_wait3A_64 : memref<1x40x256xi32, #tpu.memory_space<hbm>> -> memref<40x256xi32, #tpu.memory_space<hbm>>
        tpu.wait_dma2 semaphore(%run_scoped3A_53 : memref<!tpu.dma_semaphore, #tpu.memory_space<semaphore_mem>>) src(%dma_wait3A_65 : memref<40x256xi32, #tpu.memory_space<hbm>>) dst(%arg8 : memref<40x256xi32, #tpu.memory_space<vmem>>)
        tpu.yield
      }) : () -> ()
      %mul3A_50 = arith.constant 40 : i32
      %mul3A_51 = arith.muli %add3A, %mul3A_50 : i32
      %run_scoped3A_52 = arith.constant 1 : i32
      "tpu.region"() ({
        %run_scoped3A_53 = tpu.sem_alloc : memref<!tpu.dma_semaphore, #tpu.memory_space<semaphore_mem>>
        %dma_start3A_54 = arith.constant 0 : i32
        %dma_start3A_55 = tpu.memref_slice %arg2[%run_scoped3A_52, %mul3A_51, %dma_start3A_54] : memref<2x1250x256xi32, #tpu.memory_space<hbm>> -> memref<1x40x256xi32, #tpu.memory_space<hbm>>
        %dma_start3A_56 = tpu.memref_squeeze %dma_start3A_55 : memref<1x40x256xi32, #tpu.memory_space<hbm>> -> memref<40x256xi32, #tpu.memory_space<hbm>>
        %dma_start3A_57 = arith.constant 0 : i32
        %dma_start3A_58 = tpu.memref_slice %arg2[%run_scoped3A_52, %mul3A_51, %dma_start3A_57] : memref<2x1250x256xi32, #tpu.memory_space<hbm>> -> memref<1x40x256xi32, #tpu.memory_space<hbm>>
        %dma_start3A_59 = tpu.memref_squeeze %dma_start3A_58 : memref<1x40x256xi32, #tpu.memory_space<hbm>> -> memref<40x256xi32, #tpu.memory_space<hbm>>
        tpu.enqueue_dma source(%dma_start3A_59 : memref<40x256xi32, #tpu.memory_space<hbm>>) target(%arg9 : memref<40x256xi32, #tpu.memory_space<vmem>>) target_semaphore(%run_scoped3A_53 : memref<!tpu.dma_semaphore, #tpu.memory_space<semaphore_mem>>)
        %dma_wait3A_60 = arith.constant 0 : i32
        %dma_wait3A_61 = tpu.memref_slice %arg2[%run_scoped3A_52, %mul3A_51, %dma_wait3A_60] : memref<2x1250x256xi32, #tpu.memory_space<hbm>> -> memref<1x40x256xi32, #tpu.memory_space<hbm>>
        %dma_wait3A_62 = tpu.memref_squeeze %dma_wait3A_61 : memref<1x40x256xi32, #tpu.memory_space<hbm>> -> memref<40x256xi32, #tpu.memory_space<hbm>>
        %dma_wait3A_63 = arith.constant 0 : i32
        %dma_wait3A_64 = tpu.memref_slice %arg2[%run_scoped3A_52, %mul3A_51, %dma_wait3A_63] : memref<2x1250x256xi32, #tpu.memory_space<hbm>> -> memref<1x40x256xi32, #tpu.memory_space<hbm>>
        %dma_wait3A_65 = tpu.memref_squeeze %dma_wait3A_64 : memref<1x40x256xi32, #tpu.memory_space<hbm>> -> memref<40x256xi32, #tpu.memory_space<hbm>>
        tpu.wait_dma2 semaphore(%run_scoped3A_53 : memref<!tpu.dma_semaphore, #tpu.memory_space<semaphore_mem>>) src(%dma_wait3A_65 : memref<40x256xi32, #tpu.memory_space<hbm>>) dst(%arg9 : memref<40x256xi32, #tpu.memory_space<vmem>>)
        tpu.yield
      }) : () -> ()
    } else {
    }
    %eq3A = arith.constant 31 : i32
    %eq3A_3 = arith.cmpi eq, %add3A, %eq3A : i32
    %convert_element_type3A_4 = arith.extui %eq3A_3 : i1 to i32
    %cond3A_5 = arith.constant 0 : i32
    %cond3A_6 = arith.cmpi ne, %convert_element_type3A_4, %cond3A_5 : i32
    scf.if %cond3A_6 {
      %mul3A_48 = arith.constant 40 : i32
      %mul3A_49 = arith.muli %add3A, %mul3A_48 : i32
      %run_scoped3A = arith.constant 0 : i32
      "tpu.region"() ({
        %run_scoped3A_58 = tpu.sem_alloc : memref<!tpu.dma_semaphore, #tpu.memory_space<semaphore_mem>>
        %dma_start3A_59 = arith.constant 0 : i32
        %dma_start3A_60 = arith.constant 0 : i32
        %dma_start3A_61 = tpu.memref_slice %arg8[%dma_start3A_59, %dma_start3A_60] : memref<40x256xi32, #tpu.memory_space<vmem>> -> memref<10x256xi32, #tpu.memory_space<vmem>>
        %dma_start3A_62 = arith.constant 0 : i32
        %dma_start3A_63 = tpu.memref_slice %arg2[%run_scoped3A, %mul3A_49, %dma_start3A_62] : memref<2x1250x256xi32, #tpu.memory_space<hbm>> -> memref<1x10x256xi32, #tpu.memory_space<hbm>>
        %dma_start3A_64 = tpu.memref_squeeze %dma_start3A_63 : memref<1x10x256xi32, #tpu.memory_space<hbm>> -> memref<10x256xi32, #tpu.memory_space<hbm>>
        %dma_start3A_65 = arith.constant 0 : i32
        %dma_start3A_66 = arith.constant 0 : i32
        %dma_start3A_67 = tpu.memref_slice %arg8[%dma_start3A_65, %dma_start3A_66] : memref<40x256xi32, #tpu.memory_space<vmem>> -> memref<10x256xi32, #tpu.memory_space<vmem>>
        %dma_start3A_68 = arith.constant 0 : i32
        %dma_start3A_69 = tpu.memref_slice %arg2[%run_scoped3A, %mul3A_49, %dma_start3A_68] : memref<2x1250x256xi32, #tpu.memory_space<hbm>> -> memref<1x10x256xi32, #tpu.memory_space<hbm>>
        %dma_start3A_70 = tpu.memref_squeeze %dma_start3A_69 : memref<1x10x256xi32, #tpu.memory_space<hbm>> -> memref<10x256xi32, #tpu.memory_space<hbm>>
        tpu.enqueue_dma source(%dma_start3A_70 : memref<10x256xi32, #tpu.memory_space<hbm>>) target(%dma_start3A_67 : memref<10x256xi32, #tpu.memory_space<vmem>>) target_semaphore(%run_scoped3A_58 : memref<!tpu.dma_semaphore, #tpu.memory_space<semaphore_mem>>)
        %dma_wait3A_71 = arith.constant 0 : i32
        %dma_wait3A_72 = arith.constant 0 : i32
        %dma_wait3A_73 = tpu.memref_slice %arg8[%dma_wait3A_71, %dma_wait3A_72] : memref<40x256xi32, #tpu.memory_space<vmem>> -> memref<10x256xi32, #tpu.memory_space<vmem>>
        %dma_wait3A_74 = arith.constant 0 : i32
        %dma_wait3A_75 = tpu.memref_slice %arg2[%run_scoped3A, %mul3A_49, %dma_wait3A_74] : memref<2x1250x256xi32, #tpu.memory_space<hbm>> -> memref<1x10x256xi32, #tpu.memory_space<hbm>>
        %dma_wait3A_76 = tpu.memref_squeeze %dma_wait3A_75 : memref<1x10x256xi32, #tpu.memory_space<hbm>> -> memref<10x256xi32, #tpu.memory_space<hbm>>
        %dma_wait3A_77 = arith.constant 0 : i32
        %dma_wait3A_78 = arith.constant 0 : i32
        %dma_wait3A_79 = tpu.memref_slice %arg8[%dma_wait3A_77, %dma_wait3A_78] : memref<40x256xi32, #tpu.memory_space<vmem>> -> memref<10x256xi32, #tpu.memory_space<vmem>>
        %dma_wait3A_80 = arith.constant 0 : i32
        %dma_wait3A_81 = tpu.memref_slice %arg2[%run_scoped3A, %mul3A_49, %dma_wait3A_80] : memref<2x1250x256xi32, #tpu.memory_space<hbm>> -> memref<1x10x256xi32, #tpu.memory_space<hbm>>
        %dma_wait3A_82 = tpu.memref_squeeze %dma_wait3A_81 : memref<1x10x256xi32, #tpu.memory_space<hbm>> -> memref<10x256xi32, #tpu.memory_space<hbm>>
        tpu.wait_dma2 semaphore(%run_scoped3A_58 : memref<!tpu.dma_semaphore, #tpu.memory_space<semaphore_mem>>) src(%dma_wait3A_82 : memref<10x256xi32, #tpu.memory_space<hbm>>) dst(%dma_wait3A_79 : memref<10x256xi32, #tpu.memory_space<vmem>>)
        tpu.yield
      }) : () -> ()
      %mul3A_50 = arith.constant 40 : i32
      %mul3A_51 = arith.muli %add3A, %mul3A_50 : i32
      %run_scoped3A_52 = arith.constant 1 : i32
      "tpu.region"() ({
        %run_scoped3A_58 = tpu.sem_alloc : memref<!tpu.dma_semaphore, #tpu.memory_space<semaphore_mem>>
        %dma_start3A_59 = arith.constant 0 : i32
        %dma_start3A_60 = arith.constant 0 : i32
        %dma_start3A_61 = tpu.memref_slice %arg9[%dma_start3A_59, %dma_start3A_60] : memref<40x256xi32, #tpu.memory_space<vmem>> -> memref<10x256xi32, #tpu.memory_space<vmem>>
        %dma_start3A_62 = arith.constant 0 : i32
        %dma_start3A_63 = tpu.memref_slice %arg2[%run_scoped3A_52, %mul3A_51, %dma_start3A_62] : memref<2x1250x256xi32, #tpu.memory_space<hbm>> -> memref<1x10x256xi32, #tpu.memory_space<hbm>>
        %dma_start3A_64 = tpu.memref_squeeze %dma_start3A_63 : memref<1x10x256xi32, #tpu.memory_space<hbm>> -> memref<10x256xi32, #tpu.memory_space<hbm>>
        %dma_start3A_65 = arith.constant 0 : i32
        %dma_start3A_66 = arith.constant 0 : i32
        %dma_start3A_67 = tpu.memref_slice %arg9[%dma_start3A_65, %dma_start3A_66] : memref<40x256xi32, #tpu.memory_space<vmem>> -> memref<10x256xi32, #tpu.memory_space<vmem>>
        %dma_start3A_68 = arith.constant 0 : i32
        %dma_start3A_69 = tpu.memref_slice %arg2[%run_scoped3A_52, %mul3A_51, %dma_start3A_68] : memref<2x1250x256xi32, #tpu.memory_space<hbm>> -> memref<1x10x256xi32, #tpu.memory_space<hbm>>
        %dma_start3A_70 = tpu.memref_squeeze %dma_start3A_69 : memref<1x10x256xi32, #tpu.memory_space<hbm>> -> memref<10x256xi32, #tpu.memory_space<hbm>>
        tpu.enqueue_dma source(%dma_start3A_70 : memref<10x256xi32, #tpu.memory_space<hbm>>) target(%dma_start3A_67 : memref<10x256xi32, #tpu.memory_space<vmem>>) target_semaphore(%run_scoped3A_58 : memref<!tpu.dma_semaphore, #tpu.memory_space<semaphore_mem>>)
        %dma_wait3A_71 = arith.constant 0 : i32
        %dma_wait3A_72 = arith.constant 0 : i32
        %dma_wait3A_73 = tpu.memref_slice %arg9[%dma_wait3A_71, %dma_wait3A_72] : memref<40x256xi32, #tpu.memory_space<vmem>> -> memref<10x256xi32, #tpu.memory_space<vmem>>
        %dma_wait3A_74 = arith.constant 0 : i32
        %dma_wait3A_75 = tpu.memref_slice %arg2[%run_scoped3A_52, %mul3A_51, %dma_wait3A_74] : memref<2x1250x256xi32, #tpu.memory_space<hbm>> -> memref<1x10x256xi32, #tpu.memory_space<hbm>>
        %dma_wait3A_76 = tpu.memref_squeeze %dma_wait3A_75 : memref<1x10x256xi32, #tpu.memory_space<hbm>> -> memref<10x256xi32, #tpu.memory_space<hbm>>
        %dma_wait3A_77 = arith.constant 0 : i32
        %dma_wait3A_78 = arith.constant 0 : i32
        %dma_wait3A_79 = tpu.memref_slice %arg9[%dma_wait3A_77, %dma_wait3A_78] : memref<40x256xi32, #tpu.memory_space<vmem>> -> memref<10x256xi32, #tpu.memory_space<vmem>>
        %dma_wait3A_80 = arith.constant 0 : i32
        %dma_wait3A_81 = tpu.memref_slice %arg2[%run_scoped3A_52, %mul3A_51, %dma_wait3A_80] : memref<2x1250x256xi32, #tpu.memory_space<hbm>> -> memref<1x10x256xi32, #tpu.memory_space<hbm>>
        %dma_wait3A_82 = tpu.memref_squeeze %dma_wait3A_81 : memref<1x10x256xi32, #tpu.memory_space<hbm>> -> memref<10x256xi32, #tpu.memory_space<hbm>>
        tpu.wait_dma2 semaphore(%run_scoped3A_58 : memref<!tpu.dma_semaphore, #tpu.memory_space<semaphore_mem>>) src(%dma_wait3A_82 : memref<10x256xi32, #tpu.memory_space<hbm>>) dst(%dma_wait3A_79 : memref<10x256xi32, #tpu.memory_space<vmem>>)
        tpu.yield
      }) : () -> ()
      %iota3A = tpu.iota {dimensions = array<i32: 0>} : vector<16xi32>
      %scan3A_53 = arith.constant 0 : i32
      %scan3A_54 = arith.constant 480 : i32
      %scan3A_55 = arith.addi %scan3A_53, %scan3A_54 : i32
      %scan3A_56 = arith.constant 1 : i32
      scf.for %scan3A_58 = %scan3A_53 to %scan3A_55 step %scan3A_56  : i32 {
        %mul3A_59 = arith.constant 1 : i32
        %mul3A_60 = arith.muli %scan3A_58, %mul3A_59 : i32
        %add3A_61 = arith.constant 0 : i32
        %add3A_62 = arith.addi %add3A_61, %mul3A_60 : i32
        %jit3A = arith.constant 16 : i32
        %div3A = arith.divsi %add3A_62, %jit3A : i32
        %sign3A = arith.constant 0 : i32
        %sign3A_63 = arith.cmpi sgt, %add3A_62, %sign3A : i32
        %sign3A_64 = arith.extui %sign3A_63 : i1 to i32
        %sign3A_65 = arith.constant 0 : i32
        %sign3A_66 = arith.cmpi slt, %add3A_62, %sign3A_65 : i32
        %sign3A_67 = arith.extui %sign3A_66 : i1 to i32
        %sign3A_68 = arith.subi %sign3A_64, %sign3A_67 : i32
        %sign3A_69 = arith.constant 0 : i32
        %sign3A_70 = arith.cmpi sgt, %jit3A, %sign3A_69 : i32
        %sign3A_71 = arith.extui %sign3A_70 : i1 to i32
        %sign3A_72 = arith.constant 0 : i32
        %sign3A_73 = arith.cmpi slt, %jit3A, %sign3A_72 : i32
        %sign3A_74 = arith.extui %sign3A_73 : i1 to i32
        %sign3A_75 = arith.subi %sign3A_71, %sign3A_74 : i32
        %ne3A = arith.cmpi ne, %sign3A_68, %sign3A_75 : i32
        %rem3A = arith.remsi %add3A_62, %jit3A : i32
        %ne3A_76 = arith.constant 0 : i32
        %ne3A_77 = arith.cmpi ne, %rem3A, %ne3A_76 : i32
        %and3A = arith.andi %ne3A, %ne3A_77 : i1
        %sub3A = arith.constant 1 : i32
        %sub3A_78 = arith.subi %div3A, %sub3A : i32
        %select_n3A = arith.select %and3A, %sub3A_78, %div3A : i32
        %add3A_79 = arith.constant 10 : i32
        %add3A_80 = arith.addi %add3A_79, %select_n3A : i32
        %jit3A_81 = arith.constant 16 : i32
        %eq3A_82 = arith.constant 0 : i32
        %eq3A_83 = arith.cmpi eq, %jit3A_81, %eq3A_82 : i32
        %jit3A_84 = arith.constant 1 : i32
        %select_n3A_85 = arith.select %eq3A_83, %jit3A_84, %jit3A_81 : i32
        %rem3A_86 = arith.remsi %add3A_62, %select_n3A_85 : i32
        %ne3A_87 = arith.constant 0 : i32
        %ne3A_88 = arith.cmpi ne, %rem3A_86, %ne3A_87 : i32
        %lt3A_89 = arith.constant 0 : i32
        %lt3A_90 = arith.cmpi slt, %rem3A_86, %lt3A_89 : i32
        %lt3A_91 = arith.constant 0 : i32
        %lt3A_92 = arith.cmpi slt, %select_n3A_85, %lt3A_91 : i32
        %ne3A_93 = arith.xori %lt3A_90, %lt3A_92 : i1
        %and3A_94 = arith.andi %ne3A_93, %ne3A_88 : i1
        %add3A_95 = arith.addi %rem3A_86, %select_n3A_85 : i32
        %select_n3A_96 = arith.select %and3A_94, %add3A_95, %rem3A_86 : i32
        %mul3A_97 = arith.constant 16 : i32
        %mul3A_98 = arith.muli %select_n3A_96, %mul3A_97 : i32
        %mul3A_99 = arith.constant 16 : i32
        %mul3A_100 = arith.muli %add3A_62, %mul3A_99 : i32
        %add3A_101 = vector.broadcast %mul3A_100 : i32 to vector<16xi32>
        %add3A_102 = arith.addi %add3A_101, %iota3A : vector<16xi32>
        %rem3A_103 = arith.constant 10000 : i32
        %rem3A_104 = vector.broadcast %rem3A_103 : i32 to vector<16xi32>
        %rem3A_105 = arith.remsi %add3A_102, %rem3A_104 : vector<16xi32>
        %swap3A = arith.index_cast %add3A_80 : i32 to index
        %swap3A_106 = arith.index_cast %mul3A_98 : i32 to index
        %swap3A_107 = tpu.vector_load %arg8[%swap3A, %swap3A_106] {strides = array<i32>} : memref<40x256xi32, #tpu.memory_space<vmem>>, vector<16xi32>,
        tpu.vector_store %arg8[%swap3A, %swap3A_106], %rem3A_105 {strides = array<i32>} : memref<40x256xi32, #tpu.memory_space<vmem>>, vector<16xi32>,
        %rem3A_108 = arith.constant 112 : i32
        %rem3A_109 = vector.broadcast %rem3A_108 : i32 to vector<16xi32>
        %rem3A_110 = arith.remsi %add3A_102, %rem3A_109 : vector<16xi32>
        %add3A_111 = arith.constant 10000 : i32
        %add3A_112 = vector.broadcast %add3A_111 : i32 to vector<16xi32>
        %add3A_113 = arith.addi %add3A_112, %rem3A_110 : vector<16xi32>
        %swap3A_114 = arith.index_cast %add3A_80 : i32 to index
        %swap3A_115 = arith.index_cast %mul3A_98 : i32 to index
        %swap3A_116 = tpu.vector_load %arg9[%swap3A_114, %swap3A_115] {strides = array<i32>} : memref<40x256xi32, #tpu.memory_space<vmem>>, vector<16xi32>,
        tpu.vector_store %arg9[%swap3A_114, %swap3A_115], %add3A_113 {strides = array<i32>} : memref<40x256xi32, #tpu.memory_space<vmem>>, vector<16xi32>,
      }
      %scan3A_57 = arith.constant 480 : i32
    } else {
    }
    %mul3A_7 = arith.constant 632 : i32
    %mul3A_8 = arith.muli %arg1, %mul3A_7 : i32
    %mul3A_9 = arith.constant 632 : i32
    %mul3A_10 = arith.muli %arg1, %mul3A_9 : i32
    "tpu.region"() ({
      %run_scoped3A = tpu.sem_alloc : memref<!tpu.dma_semaphore, #tpu.memory_space<semaphore_mem>>
      %dma_start3A_48 = arith.constant 0 : i32
      %dma_start3A_49 = tpu.memref_slice %arg7[%mul3A_10, %dma_start3A_48] : memref<10112x64xf32, #tpu.memory_space<vmem_shared>> -> memref<632x64xf32, #tpu.memory_space<vmem_shared>>
      %dma_start3A_50 = arith.constant 0 : i32
      %dma_start3A_51 = tpu.memref_slice %arg4[%mul3A_8, %dma_start3A_50] : memref<10112x64xf32, #tpu.memory_space<hbm>> -> memref<632x64xf32, #tpu.memory_space<hbm>>
      tpu.enqueue_dma source(%dma_start3A_51 : memref<632x64xf32, #tpu.memory_space<hbm>>) target(%dma_start3A_49 : memref<632x64xf32, #tpu.memory_space<vmem_shared>>) target_semaphore(%run_scoped3A : memref<!tpu.dma_semaphore, #tpu.memory_space<semaphore_mem>>)
      %dma_wait3A_52 = arith.constant 0 : i32
      %dma_wait3A_53 = tpu.memref_slice %arg7[%mul3A_10, %dma_wait3A_52] : memref<10112x64xf32, #tpu.memory_space<vmem_shared>> -> memref<632x64xf32, #tpu.memory_space<vmem_shared>>
      %dma_wait3A_54 = arith.constant 0 : i32
      %dma_wait3A_55 = tpu.memref_slice %arg4[%mul3A_8, %dma_wait3A_54] : memref<10112x64xf32, #tpu.memory_space<hbm>> -> memref<632x64xf32, #tpu.memory_space<hbm>>
      tpu.wait_dma2 semaphore(%run_scoped3A : memref<!tpu.dma_semaphore, #tpu.memory_space<semaphore_mem>>) src(%dma_wait3A_55 : memref<632x64xf32, #tpu.memory_space<hbm>>) dst(%dma_wait3A_53 : memref<632x64xf32, #tpu.memory_space<vmem_shared>>)
      tpu.yield
    }) : () -> ()
    %dma_start3A = arith.constant 0 : i32
    %dma_start3A_11 = arith.constant 0 : i32
    %dma_start3A_12 = tpu.memref_slice %arg8[%dma_start3A, %dma_start3A_11] : memref<40x256xi32, #tpu.memory_space<vmem>> -> memref<1x256xi32, #tpu.memory_space<vmem>>
    %dma_start3A_13 = tpu.memref_squeeze %dma_start3A_12 : memref<1x256xi32, #tpu.memory_space<vmem>> -> memref<256xi32, #tpu.memory_space<vmem>>
    %dma_start3A_14 = arith.constant 0 : i32
    %dma_start3A_15 = arith.constant 0 : i32
    %dma_start3A_16 = tpu.memref_slice %arg3[%dma_start3A_14, %dma_start3A_15] : memref<10000x64xf32, #tpu.memory_space<hbm>> -> memref<10000x64xf32, #tpu.memory_space<hbm>>
    tpu.enqueue_indirect_dma source(%dma_start3A_16 : memref<10000x64xf32, #tpu.memory_space<hbm>>) target(%arg10 : memref<256x64xf32, #tpu.memory_space<vmem>>) offsets(%dma_start3A_13 : memref<256xi32, #tpu.memory_space<vmem>>) semaphore(%arg13 : memref<!tpu.dma_semaphore, #tpu.memory_space<semaphore_mem>>)
    %broadcast_in_dim3A = arith.constant 0.000000e+00 : f32
    %broadcast_in_dim3A_17 = vector.broadcast %broadcast_in_dim3A : f32 to vector<16xf32>
    %broadcast_in_dim3A_18 = arith.constant 1.000000e+00 : f32
    %broadcast_in_dim3A_19 = vector.broadcast %broadcast_in_dim3A_18 : f32 to vector<16xf32>
    %scan3A = arith.constant 0 : i32
    %scan3A_20 = arith.constant 632 : i32
    %scan3A_21 = arith.addi %scan3A, %scan3A_20 : i32
    %scan3A_22 = arith.constant 1 : i32
    scf.for %scan3A_48 = %scan3A to %scan3A_21 step %scan3A_22  : i32 {
      %mul3A_49 = arith.constant 1 : i32
      %mul3A_50 = arith.muli %scan3A_48, %mul3A_49 : i32
      %add3A_51 = arith.constant 0 : i32
      %add3A_52 = arith.addi %add3A_51, %mul3A_50 : i32
      %mul3A_53 = arith.constant 16 : i32
      %mul3A_54 = arith.muli %add3A_52, %mul3A_53 : i32
      %swap3A = arith.index_cast %mul3A_54 : i32 to index
      %swap3A_55 = tpu.vector_load %arg12[%swap3A] {strides = array<i32>} : memref<10112xf32, #tpu.memory_space<vmem>>, vector<16xf32>,
      tpu.vector_store %arg12[%swap3A], %broadcast_in_dim3A_17 {strides = array<i32>} : memref<10112xf32, #tpu.memory_space<vmem>>, vector<16xf32>,
    }
    %scan3A_23 = arith.constant 632 : i32
    %scan3A_24 = arith.constant 0 : i32
    %scan3A_25 = arith.constant 640 : i32
    %scan3A_26 = arith.addi %scan3A_24, %scan3A_25 : i32
    %scan3A_27 = arith.constant 1 : i32
    scf.for %scan3A_48 = %scan3A_24 to %scan3A_26 step %scan3A_27  : i32 {
      %mul3A_49 = arith.constant 1 : i32
      %mul3A_50 = arith.muli %scan3A_48, %mul3A_49 : i32
      %add3A_51 = arith.constant 0 : i32
      %add3A_52 = arith.addi %add3A_51, %mul3A_50 : i32
      %jit3A = arith.constant 16 : i32
      %div3A = arith.divsi %add3A_52, %jit3A : i32
      %sign3A = arith.constant 0 : i32
      %sign3A_53 = arith.cmpi sgt, %add3A_52, %sign3A : i32
      %sign3A_54 = arith.extui %sign3A_53 : i1 to i32
      %sign3A_55 = arith.constant 0 : i32
      %sign3A_56 = arith.cmpi slt, %add3A_52, %sign3A_55 : i32
      %sign3A_57 = arith.extui %sign3A_56 : i1 to i32
      %sign3A_58 = arith.subi %sign3A_54, %sign3A_57 : i32
      %sign3A_59 = arith.constant 0 : i32
      %sign3A_60 = arith.cmpi sgt, %jit3A, %sign3A_59 : i32
      %sign3A_61 = arith.extui %sign3A_60 : i1 to i32
      %sign3A_62 = arith.constant 0 : i32
      %sign3A_63 = arith.cmpi slt, %jit3A, %sign3A_62 : i32
      %sign3A_64 = arith.extui %sign3A_63 : i1 to i32
      %sign3A_65 = arith.subi %sign3A_61, %sign3A_64 : i32
      %ne3A = arith.cmpi ne, %sign3A_58, %sign3A_65 : i32
      %rem3A = arith.remsi %add3A_52, %jit3A : i32
      %ne3A_66 = arith.constant 0 : i32
      %ne3A_67 = arith.cmpi ne, %rem3A, %ne3A_66 : i32
      %and3A = arith.andi %ne3A, %ne3A_67 : i1
      %sub3A = arith.constant 1 : i32
      %sub3A_68 = arith.subi %div3A, %sub3A : i32
      %select_n3A = arith.select %and3A, %sub3A_68, %div3A : i32
      %jit3A_69 = arith.constant 16 : i32
      %eq3A_70 = arith.constant 0 : i32
      %eq3A_71 = arith.cmpi eq, %jit3A_69, %eq3A_70 : i32
      %jit3A_72 = arith.constant 1 : i32
      %select_n3A_73 = arith.select %eq3A_71, %jit3A_72, %jit3A_69 : i32
      %rem3A_74 = arith.remsi %add3A_52, %select_n3A_73 : i32
      %ne3A_75 = arith.constant 0 : i32
      %ne3A_76 = arith.cmpi ne, %rem3A_74, %ne3A_75 : i32
      %lt3A_77 = arith.constant 0 : i32
      %lt3A_78 = arith.cmpi slt, %rem3A_74, %lt3A_77 : i32
      %lt3A_79 = arith.constant 0 : i32
      %lt3A_80 = arith.cmpi slt, %select_n3A_73, %lt3A_79 : i32
      %ne3A_81 = arith.xori %lt3A_78, %lt3A_80 : i1
      %and3A_82 = arith.andi %ne3A_81, %ne3A_76 : i1
      %add3A_83 = arith.addi %rem3A_74, %select_n3A_73 : i32
      %select_n3A_84 = arith.select %and3A_82, %add3A_83, %rem3A_74 : i32
      %mul3A_85 = arith.constant 16 : i32
      %mul3A_86 = arith.muli %select_n3A_84, %mul3A_85 : i32
      %get3A = arith.index_cast %select_n3A : i32 to index
      %get3A_87 = arith.index_cast %mul3A_86 : i32 to index
      %get3A_88 = tpu.vector_load %arg9[%get3A, %get3A_87] {strides = array<i32>} : memref<40x256xi32, #tpu.memory_space<vmem>>, vector<16xi32>,
      tpu.vector_store_idx %arg12[%get3A_88], %broadcast_in_dim3A_19 {add = true} : memref<10112xf32, #tpu.memory_space<vmem>>[vector<16xi32>], vector<16xf32>,
    }
    %scan3A_28 = arith.constant 640 : i32
    %barrier3A = arith.constant 0 : index
    tpu.barrier barrier_id(%barrier3A)
    %scan3A_29 = arith.constant 0 : i32
    %scan3A_30 = arith.constant 20 : i32
    %scan3A_31 = arith.addi %scan3A_29, %scan3A_30 : i32
    %scan3A_32 = arith.constant 1 : i32
    scf.for %scan3A_48 = %scan3A_29 to %scan3A_31 step %scan3A_32  : i32 {
      %mul3A_49 = arith.constant 1 : i32
      %mul3A_50 = arith.muli %scan3A_48, %mul3A_49 : i32
      %add3A_51 = arith.constant 0 : i32
      %add3A_52 = arith.addi %add3A_51, %mul3A_50 : i32
      %mul3A_53 = arith.constant 2 : i32
      %mul3A_54 = arith.muli %mul3A_53, %add3A_52 : i32
      %dma_wait3A_55 = arith.constant 0 : i32
      %dma_wait3A_56 = arith.constant 0 : i32
      %dma_wait3A_57 = tpu.memref_slice %arg8[%dma_wait3A_55, %dma_wait3A_56] : memref<40x256xi32, #tpu.memory_space<vmem>> -> memref<1x256xi32, #tpu.memory_space<vmem>>
      %dma_wait3A_58 = tpu.memref_squeeze %dma_wait3A_57 : memref<1x256xi32, #tpu.memory_space<vmem>> -> memref<256xi32, #tpu.memory_space<vmem>>
      %dma_wait3A_59 = arith.constant 0 : i32
      %dma_wait3A_60 = arith.constant 0 : i32
      %dma_wait3A_61 = tpu.memref_slice %arg3[%dma_wait3A_59, %dma_wait3A_60] : memref<10000x64xf32, #tpu.memory_space<hbm>> -> memref<10000x64xf32, #tpu.memory_space<hbm>>
      tpu.wait_indirect_dma semaphore(%arg13 : memref<!tpu.dma_semaphore, #tpu.memory_space<semaphore_mem>>) src(%dma_wait3A_61 : memref<10000x64xf32, #tpu.memory_space<hbm>>) dst(%arg10 : memref<256x64xf32, #tpu.memory_space<vmem>>)
      %ge3A = arith.constant 1 : i32
      %ge3A_62 = arith.cmpi sge, %mul3A_54, %ge3A : i32
      %convert_element_type3A_63 = arith.extui %ge3A_62 : i1 to i32
      %cond3A_64 = arith.constant 0 : i32
      %cond3A_65 = arith.cmpi ne, %convert_element_type3A_63, %cond3A_64 : i32
      scf.if %cond3A_65 {
        %dma_wait3A_108 = arith.constant 0 : i32
        %dma_wait3A_109 = arith.constant 0 : i32
        %dma_wait3A_110 = tpu.memref_slice %arg9[%dma_wait3A_108, %dma_wait3A_109] : memref<40x256xi32, #tpu.memory_space<vmem>> -> memref<1x256xi32, #tpu.memory_space<vmem>>
        %dma_wait3A_111 = tpu.memref_squeeze %dma_wait3A_110 : memref<1x256xi32, #tpu.memory_space<vmem>> -> memref<256xi32, #tpu.memory_space<vmem>>
        %dma_wait3A_112 = arith.constant 0 : i32
        %dma_wait3A_113 = arith.constant 0 : i32
        %dma_wait3A_114 = tpu.memref_slice %arg7[%dma_wait3A_112, %dma_wait3A_113] : memref<10112x64xf32, #tpu.memory_space<vmem_shared>> -> memref<10112x64xf32, #tpu.memory_space<vmem_shared>>
        tpu.wait_indirect_dma semaphore(%arg16 : memref<!tpu.dma_semaphore, #tpu.memory_space<semaphore_mem>>) src(%arg11 : memref<256x64xf32, #tpu.memory_space<vmem>>) dst(%dma_wait3A_114 : memref<10112x64xf32, #tpu.memory_space<vmem_shared>>)
      } else {
      }
      %add3A_66 = arith.constant 1 : i32
      %add3A_67 = arith.addi %mul3A_54, %add3A_66 : i32
      %lt3A_68 = arith.constant 40 : i32
      %lt3A_69 = arith.cmpi slt, %add3A_67, %lt3A_68 : i32
      %convert_element_type3A_70 = arith.extui %lt3A_69 : i1 to i32
      %cond3A_71 = arith.constant 0 : i32
      %cond3A_72 = arith.cmpi ne, %convert_element_type3A_70, %cond3A_71 : i32
      scf.if %cond3A_72 {
        %add3A_108 = arith.constant 1 : i32
        %add3A_109 = arith.addi %mul3A_54, %add3A_108 : i32
        %dma_start3A_110 = arith.constant 0 : i32
        %dma_start3A_111 = tpu.memref_slice %arg8[%add3A_109, %dma_start3A_110] : memref<40x256xi32, #tpu.memory_space<vmem>> -> memref<1x256xi32, #tpu.memory_space<vmem>>
        %dma_start3A_112 = tpu.memref_squeeze %dma_start3A_111 : memref<1x256xi32, #tpu.memory_space<vmem>> -> memref<256xi32, #tpu.memory_space<vmem>>
        %dma_start3A_113 = arith.constant 0 : i32
        %dma_start3A_114 = arith.constant 0 : i32
        %dma_start3A_115 = tpu.memref_slice %arg3[%dma_start3A_113, %dma_start3A_114] : memref<10000x64xf32, #tpu.memory_space<hbm>> -> memref<10000x64xf32, #tpu.memory_space<hbm>>
        tpu.enqueue_indirect_dma source(%dma_start3A_115 : memref<10000x64xf32, #tpu.memory_space<hbm>>) target(%arg11 : memref<256x64xf32, #tpu.memory_space<vmem>>) offsets(%dma_start3A_112 : memref<256xi32, #tpu.memory_space<vmem>>) semaphore(%arg14 : memref<!tpu.dma_semaphore, #tpu.memory_space<semaphore_mem>>)
      } else {
      }
      %dma_start3A_73 = arith.constant 0 : i32
      %dma_start3A_74 = tpu.memref_slice %arg9[%mul3A_54, %dma_start3A_73] : memref<40x256xi32, #tpu.memory_space<vmem>> -> memref<1x256xi32, #tpu.memory_space<vmem>>
      %dma_start3A_75 = tpu.memref_squeeze %dma_start3A_74 : memref<1x256xi32, #tpu.memory_space<vmem>> -> memref<256xi32, #tpu.memory_space<vmem>>
      %dma_start3A_76 = arith.constant 0 : i32
      %dma_start3A_77 = arith.constant 0 : i32
      %dma_start3A_78 = tpu.memref_slice %arg7[%dma_start3A_76, %dma_start3A_77] : memref<10112x64xf32, #tpu.memory_space<vmem_shared>> -> memref<10112x64xf32, #tpu.memory_space<vmem_shared>>
      tpu.enqueue_indirect_dma source(%arg10 : memref<256x64xf32, #tpu.memory_space<vmem>>) target(%dma_start3A_78 : memref<10112x64xf32, #tpu.memory_space<vmem_shared>>) offsets(%dma_start3A_75 : memref<256xi32, #tpu.memory_space<vmem>>) semaphore(%arg15 : memref<!tpu.dma_semaphore, #tpu.memory_space<semaphore_mem>>) {add = true}
      %mul3A_79 = arith.constant 2 : i32
      %mul3A_80 = arith.muli %mul3A_79, %add3A_52 : i32
      %add3A_81 = arith.constant 1 : i32
      %add3A_82 = arith.addi %mul3A_80, %add3A_81 : i32
      %dma_wait3A_83 = arith.constant 0 : i32
      %dma_wait3A_84 = arith.constant 0 : i32
      %dma_wait3A_85 = tpu.memref_slice %arg8[%dma_wait3A_83, %dma_wait3A_84] : memref<40x256xi32, #tpu.memory_space<vmem>> -> memref<1x256xi32, #tpu.memory_space<vmem>>
      %dma_wait3A_86 = tpu.memref_squeeze %dma_wait3A_85 : memref<1x256xi32, #tpu.memory_space<vmem>> -> memref<256xi32, #tpu.memory_space<vmem>>
      %dma_wait3A_87 = arith.constant 0 : i32
      %dma_wait3A_88 = arith.constant 0 : i32
      %dma_wait3A_89 = tpu.memref_slice %arg3[%dma_wait3A_87, %dma_wait3A_88] : memref<10000x64xf32, #tpu.memory_space<hbm>> -> memref<10000x64xf32, #tpu.memory_space<hbm>>
      tpu.wait_indirect_dma semaphore(%arg14 : memref<!tpu.dma_semaphore, #tpu.memory_space<semaphore_mem>>) src(%dma_wait3A_89 : memref<10000x64xf32, #tpu.memory_space<hbm>>) dst(%arg11 : memref<256x64xf32, #tpu.memory_space<vmem>>)
      %ge3A_90 = arith.constant 1 : i32
      %ge3A_91 = arith.cmpi sge, %add3A_82, %ge3A_90 : i32
      %convert_element_type3A_92 = arith.extui %ge3A_91 : i1 to i32
      %cond3A_93 = arith.constant 0 : i32
      %cond3A_94 = arith.cmpi ne, %convert_element_type3A_92, %cond3A_93 : i32
      scf.if %cond3A_94 {
        %dma_wait3A_108 = arith.constant 0 : i32
        %dma_wait3A_109 = arith.constant 0 : i32
        %dma_wait3A_110 = tpu.memref_slice %arg9[%dma_wait3A_108, %dma_wait3A_109] : memref<40x256xi32, #tpu.memory_space<vmem>> -> memref<1x256xi32, #tpu.memory_space<vmem>>
        %dma_wait3A_111 = tpu.memref_squeeze %dma_wait3A_110 : memref<1x256xi32, #tpu.memory_space<vmem>> -> memref<256xi32, #tpu.memory_space<vmem>>
        %dma_wait3A_112 = arith.constant 0 : i32
        %dma_wait3A_113 = arith.constant 0 : i32
        %dma_wait3A_114 = tpu.memref_slice %arg7[%dma_wait3A_112, %dma_wait3A_113] : memref<10112x64xf32, #tpu.memory_space<vmem_shared>> -> memref<10112x64xf32, #tpu.memory_space<vmem_shared>>
        tpu.wait_indirect_dma semaphore(%arg15 : memref<!tpu.dma_semaphore, #tpu.memory_space<semaphore_mem>>) src(%arg10 : memref<256x64xf32, #tpu.memory_space<vmem>>) dst(%dma_wait3A_114 : memref<10112x64xf32, #tpu.memory_space<vmem_shared>>)
      } else {
      }
      %add3A_95 = arith.constant 1 : i32
      %add3A_96 = arith.addi %add3A_82, %add3A_95 : i32
      %lt3A_97 = arith.constant 40 : i32
      %lt3A_98 = arith.cmpi slt, %add3A_96, %lt3A_97 : i32
      %convert_element_type3A_99 = arith.extui %lt3A_98 : i1 to i32
      %cond3A_100 = arith.constant 0 : i32
      %cond3A_101 = arith.cmpi ne, %convert_element_type3A_99, %cond3A_100 : i32
      scf.if %cond3A_101 {
        %add3A_108 = arith.constant 1 : i32
        %add3A_109 = arith.addi %add3A_82, %add3A_108 : i32
        %dma_start3A_110 = arith.constant 0 : i32
        %dma_start3A_111 = tpu.memref_slice %arg8[%add3A_109, %dma_start3A_110] : memref<40x256xi32, #tpu.memory_space<vmem>> -> memref<1x256xi32, #tpu.memory_space<vmem>>
        %dma_start3A_112 = tpu.memref_squeeze %dma_start3A_111 : memref<1x256xi32, #tpu.memory_space<vmem>> -> memref<256xi32, #tpu.memory_space<vmem>>
        %dma_start3A_113 = arith.constant 0 : i32
        %dma_start3A_114 = arith.constant 0 : i32
        %dma_start3A_115 = tpu.memref_slice %arg3[%dma_start3A_113, %dma_start3A_114] : memref<10000x64xf32, #tpu.memory_space<hbm>> -> memref<10000x64xf32, #tpu.memory_space<hbm>>
        tpu.enqueue_indirect_dma source(%dma_start3A_115 : memref<10000x64xf32, #tpu.memory_space<hbm>>) target(%arg10 : memref<256x64xf32, #tpu.memory_space<vmem>>) offsets(%dma_start3A_112 : memref<256xi32, #tpu.memory_space<vmem>>) semaphore(%arg13 : memref<!tpu.dma_semaphore, #tpu.memory_space<semaphore_mem>>)
      } else {
      }
      %dma_start3A_102 = arith.constant 0 : i32
      %dma_start3A_103 = tpu.memref_slice %arg9[%add3A_82, %dma_start3A_102] : memref<40x256xi32, #tpu.memory_space<vmem>> -> memref<1x256xi32, #tpu.memory_space<vmem>>
      %dma_start3A_104 = tpu.memref_squeeze %dma_start3A_103 : memref<1x256xi32, #tpu.memory_space<vmem>> -> memref<256xi32, #tpu.memory_space<vmem>>
      %dma_start3A_105 = arith.constant 0 : i32
      %dma_start3A_106 = arith.constant 0 : i32
      %dma_start3A_107 = tpu.memref_slice %arg7[%dma_start3A_105, %dma_start3A_106] : memref<10112x64xf32, #tpu.memory_space<vmem_shared>> -> memref<10112x64xf32, #tpu.memory_space<vmem_shared>>
      tpu.enqueue_indirect_dma source(%arg11 : memref<256x64xf32, #tpu.memory_space<vmem>>) target(%dma_start3A_107 : memref<10112x64xf32, #tpu.memory_space<vmem_shared>>) offsets(%dma_start3A_104 : memref<256xi32, #tpu.memory_space<vmem>>) semaphore(%arg16 : memref<!tpu.dma_semaphore, #tpu.memory_space<semaphore_mem>>) {add = true}
    }
    %scan3A_33 = arith.constant 20 : i32
    %dma_wait3A = arith.constant 0 : i32
    %dma_wait3A_34 = arith.constant 0 : i32
    %dma_wait3A_35 = tpu.memref_slice %arg9[%dma_wait3A, %dma_wait3A_34] : memref<40x256xi32, #tpu.memory_space<vmem>> -> memref<1x256xi32, #tpu.memory_space<vmem>>
    %dma_wait3A_36 = tpu.memref_squeeze %dma_wait3A_35 : memref<1x256xi32, #tpu.memory_space<vmem>> -> memref<256xi32, #tpu.memory_space<vmem>>
    %dma_wait3A_37 = arith.constant 0 : i32
    %dma_wait3A_38 = arith.constant 0 : i32
    %dma_wait3A_39 = tpu.memref_slice %arg7[%dma_wait3A_37, %dma_wait3A_38] : memref<10112x64xf32, #tpu.memory_space<vmem_shared>> -> memref<10112x64xf32, #tpu.memory_space<vmem_shared>>
    tpu.wait_indirect_dma semaphore(%arg16 : memref<!tpu.dma_semaphore, #tpu.memory_space<semaphore_mem>>) src(%arg11 : memref<256x64xf32, #tpu.memory_space<vmem>>) dst(%dma_wait3A_39 : memref<10112x64xf32, #tpu.memory_space<vmem_shared>>)
    "tpu.region"() ({
      %run_scoped3A = tpu.sem_alloc : memref<!tpu.dma_semaphore, #tpu.memory_space<semaphore_mem>>
      %dma_start3A_48 = arith.constant 0 : i32
      %dma_start3A_49 = tpu.memref_slice %arg6[%add3A, %dma_start3A_48] : memref<32x10112xf32, #tpu.memory_space<hbm>> -> memref<1x10112xf32, #tpu.memory_space<hbm>>
      %dma_start3A_50 = tpu.memref_squeeze %dma_start3A_49 : memref<1x10112xf32, #tpu.memory_space<hbm>> -> memref<10112xf32, #tpu.memory_space<hbm>>
      %dma_start3A_51 = arith.constant 0 : i32
      %dma_start3A_52 = tpu.memref_slice %arg6[%add3A, %dma_start3A_51] : memref<32x10112xf32, #tpu.memory_space<hbm>> -> memref<1x10112xf32, #tpu.memory_space<hbm>>
      %dma_start3A_53 = tpu.memref_squeeze %dma_start3A_52 : memref<1x10112xf32, #tpu.memory_space<hbm>> -> memref<10112xf32, #tpu.memory_space<hbm>>
      tpu.enqueue_dma source(%arg12 : memref<10112xf32, #tpu.memory_space<vmem>>) target(%dma_start3A_53 : memref<10112xf32, #tpu.memory_space<hbm>>) target_semaphore(%run_scoped3A : memref<!tpu.dma_semaphore, #tpu.memory_space<semaphore_mem>>)
      %dma_wait3A_54 = arith.constant 0 : i32
      %dma_wait3A_55 = tpu.memref_slice %arg6[%add3A, %dma_wait3A_54] : memref<32x10112xf32, #tpu.memory_space<hbm>> -> memref<1x10112xf32, #tpu.memory_space<hbm>>
      %dma_wait3A_56 = tpu.memref_squeeze %dma_wait3A_55 : memref<1x10112xf32, #tpu.memory_space<hbm>> -> memref<10112xf32, #tpu.memory_space<hbm>>
      %dma_wait3A_57 = arith.constant 0 : i32
      %dma_wait3A_58 = tpu.memref_slice %arg6[%add3A, %dma_wait3A_57] : memref<32x10112xf32, #tpu.memory_space<hbm>> -> memref<1x10112xf32, #tpu.memory_space<hbm>>
      %dma_wait3A_59 = tpu.memref_squeeze %dma_wait3A_58 : memref<1x10112xf32, #tpu.memory_space<hbm>> -> memref<10112xf32, #tpu.memory_space<hbm>>
      tpu.wait_dma2 semaphore(%run_scoped3A : memref<!tpu.dma_semaphore, #tpu.memory_space<semaphore_mem>>) src(%arg12 : memref<10112xf32, #tpu.memory_space<vmem>>) dst(%dma_wait3A_59 : memref<10112xf32, #tpu.memory_space<hbm>>)
      tpu.yield
    }) : () -> ()
    %barrier3A_40 = arith.constant 0 : index
    tpu.barrier barrier_id(%barrier3A_40)
    %mul3A_41 = arith.constant 632 : i32
    %mul3A_42 = arith.muli %arg1, %mul3A_41 : i32
    %mul3A_43 = arith.constant 10112 : i32
    %mul3A_44 = arith.muli %arg0, %mul3A_43 : i32
    %mul3A_45 = arith.constant 632 : i32
    %mul3A_46 = arith.muli %arg1, %mul3A_45 : i32
    %add3A_47 = arith.addi %mul3A_44, %mul3A_46 : i32
    "tpu.region"() ({
      %run_scoped3A = tpu.sem_alloc : memref<!tpu.dma_semaphore, #tpu.memory_space<semaphore_mem>>
      %dma_start3A_48 = arith.constant 0 : i32
      %dma_start3A_49 = tpu.memref_slice %arg5[%add3A_47, %dma_start3A_48] : memref<20224x64xf32, #tpu.memory_space<hbm>> -> memref<632x64xf32, #tpu.memory_space<hbm>>
      %dma_start3A_50 = arith.constant 0 : i32
      %dma_start3A_51 = tpu.memref_slice %arg7[%mul3A_42, %dma_start3A_50] : memref<10112x64xf32, #tpu.memory_space<vmem_shared>> -> memref<632x64xf32, #tpu.memory_space<vmem_shared>>
      tpu.enqueue_dma source(%dma_start3A_51 : memref<632x64xf32, #tpu.memory_space<vmem_shared>>) target(%dma_start3A_49 : memref<632x64xf32, #tpu.memory_space<hbm>>) target_semaphore(%run_scoped3A : memref<!tpu.dma_semaphore, #tpu.memory_space<semaphore_mem>>)
      %dma_wait3A_52 = arith.constant 0 : i32
      %dma_wait3A_53 = tpu.memref_slice %arg5[%add3A_47, %dma_wait3A_52] : memref<20224x64xf32, #tpu.memory_space<hbm>> -> memref<632x64xf32, #tpu.memory_space<hbm>>
      %dma_wait3A_54 = arith.constant 0 : i32
      %dma_wait3A_55 = tpu.memref_slice %arg7[%mul3A_42, %dma_wait3A_54] : memref<10112x64xf32, #tpu.memory_space<vmem_shared>> -> memref<632x64xf32, #tpu.memory_space<vmem_shared>>
      tpu.wait_dma2 semaphore(%run_scoped3A : memref<!tpu.dma_semaphore, #tpu.memory_space<semaphore_mem>>) src(%dma_wait3A_55 : memref<632x64xf32, #tpu.memory_space<vmem_shared>>) dst(%dma_wait3A_53 : memref<632x64xf32, #tpu.memory_space<hbm>>)
      tpu.yield
    }) : () -> ()
    return
  }
}

#map = affine_map<(d0, d1) -> (0, 0, 0)>
#map1 = affine_map<(d0, d1) -> (0, 0)>
module attributes {stable_mosaic.version = 14 : i64} {
  func.func @agg(%arg0: i32, %arg1: i32, %arg2: memref<2x625x512xi32, #tpu.memory_space<hbm>>, %arg3: memref<10000x32xf32, #tpu.memory_space<hbm>>, %arg4: memref<10112x32xf32, #tpu.memory_space<hbm>>, %arg5: memref<20224x32xf32, #tpu.memory_space<hbm>>, %arg6: memref<10112x32xf32, #tpu.memory_space<vmem_shared>>, %arg7: memref<20x512xi32, #tpu.memory_space<vmem>>, %arg8: memref<20x512xi32, #tpu.memory_space<vmem>>, %arg9: memref<512x32xf32, #tpu.memory_space<vmem>>, %arg10: memref<512x32xf32, #tpu.memory_space<vmem>>, %arg11: memref<!tpu.dma_semaphore, #tpu.memory_space<semaphore_mem>>, %arg12: memref<!tpu.dma_semaphore, #tpu.memory_space<semaphore_mem>>, %arg13: memref<!tpu.dma_semaphore, #tpu.memory_space<semaphore_mem>>, %arg14: memref<!tpu.dma_semaphore, #tpu.memory_space<semaphore_mem>>) attributes {dimension_semantics = [#tpu.dimension_semantics<core_parallel>, #tpu.dimension_semantics<subcore_parallel>], iteration_bounds = array<i64: 2, 16>, scalar_prefetch = 0 : i64, scratch_operands = 9 : i64, tpu.core_type = #tpu.core_type<sc_vector_subcore>, window_params = [{transform_indices = #map}, {transform_indices = #map1}, {transform_indices = #map1}, {transform_indices = #map1}]} {
    %mul3A = arith.constant 16 : i32
    %mul3A_0 = arith.muli %arg0, %mul3A : i32
    %add3A = arith.addi %mul3A_0, %arg1 : i32
    %lt3A = arith.constant 31 : i32
    %lt3A_1 = arith.cmpi slt, %add3A, %lt3A : i32
    %convert_element_type3A = arith.extui %lt3A_1 : i1 to i32
    %cond3A = arith.constant 0 : i32
    %cond3A_2 = arith.cmpi ne, %convert_element_type3A, %cond3A : i32
    scf.if %cond3A_2 {
      %mul3A_35 = arith.constant 20 : i32
      %mul3A_36 = arith.muli %add3A, %mul3A_35 : i32
      %run_scoped3A = arith.constant 0 : i32
      "tpu.region"() ({
        %run_scoped3A_40 = tpu.sem_alloc : memref<!tpu.dma_semaphore, #tpu.memory_space<semaphore_mem>>
        %dma_start3A_41 = arith.constant 0 : i32
        %dma_start3A_42 = tpu.memref_slice %arg2[%run_scoped3A, %mul3A_36, %dma_start3A_41] : memref<2x625x512xi32, #tpu.memory_space<hbm>> -> memref<1x20x512xi32, #tpu.memory_space<hbm>>
        %dma_start3A_43 = tpu.memref_squeeze %dma_start3A_42 : memref<1x20x512xi32, #tpu.memory_space<hbm>> -> memref<20x512xi32, #tpu.memory_space<hbm>>
        %dma_start3A_44 = arith.constant 0 : i32
        %dma_start3A_45 = tpu.memref_slice %arg2[%run_scoped3A, %mul3A_36, %dma_start3A_44] : memref<2x625x512xi32, #tpu.memory_space<hbm>> -> memref<1x20x512xi32, #tpu.memory_space<hbm>>
        %dma_start3A_46 = tpu.memref_squeeze %dma_start3A_45 : memref<1x20x512xi32, #tpu.memory_space<hbm>> -> memref<20x512xi32, #tpu.memory_space<hbm>>
        tpu.enqueue_dma source(%dma_start3A_46 : memref<20x512xi32, #tpu.memory_space<hbm>>) target(%arg7 : memref<20x512xi32, #tpu.memory_space<vmem>>) target_semaphore(%run_scoped3A_40 : memref<!tpu.dma_semaphore, #tpu.memory_space<semaphore_mem>>)
        %dma_wait3A_47 = arith.constant 0 : i32
        %dma_wait3A_48 = tpu.memref_slice %arg2[%run_scoped3A, %mul3A_36, %dma_wait3A_47] : memref<2x625x512xi32, #tpu.memory_space<hbm>> -> memref<1x20x512xi32, #tpu.memory_space<hbm>>
        %dma_wait3A_49 = tpu.memref_squeeze %dma_wait3A_48 : memref<1x20x512xi32, #tpu.memory_space<hbm>> -> memref<20x512xi32, #tpu.memory_space<hbm>>
        %dma_wait3A_50 = arith.constant 0 : i32
        %dma_wait3A_51 = tpu.memref_slice %arg2[%run_scoped3A, %mul3A_36, %dma_wait3A_50] : memref<2x625x512xi32, #tpu.memory_space<hbm>> -> memref<1x20x512xi32, #tpu.memory_space<hbm>>
        %dma_wait3A_52 = tpu.memref_squeeze %dma_wait3A_51 : memref<1x20x512xi32, #tpu.memory_space<hbm>> -> memref<20x512xi32, #tpu.memory_space<hbm>>
        tpu.wait_dma2 semaphore(%run_scoped3A_40 : memref<!tpu.dma_semaphore, #tpu.memory_space<semaphore_mem>>) src(%dma_wait3A_52 : memref<20x512xi32, #tpu.memory_space<hbm>>) dst(%arg7 : memref<20x512xi32, #tpu.memory_space<vmem>>)
        tpu.yield
      }) : () -> ()
      %mul3A_37 = arith.constant 20 : i32
      %mul3A_38 = arith.muli %add3A, %mul3A_37 : i32
      %run_scoped3A_39 = arith.constant 1 : i32
      "tpu.region"() ({
        %run_scoped3A_40 = tpu.sem_alloc : memref<!tpu.dma_semaphore, #tpu.memory_space<semaphore_mem>>
        %dma_start3A_41 = arith.constant 0 : i32
        %dma_start3A_42 = tpu.memref_slice %arg2[%run_scoped3A_39, %mul3A_38, %dma_start3A_41] : memref<2x625x512xi32, #tpu.memory_space<hbm>> -> memref<1x20x512xi32, #tpu.memory_space<hbm>>
        %dma_start3A_43 = tpu.memref_squeeze %dma_start3A_42 : memref<1x20x512xi32, #tpu.memory_space<hbm>> -> memref<20x512xi32, #tpu.memory_space<hbm>>
        %dma_start3A_44 = arith.constant 0 : i32
        %dma_start3A_45 = tpu.memref_slice %arg2[%run_scoped3A_39, %mul3A_38, %dma_start3A_44] : memref<2x625x512xi32, #tpu.memory_space<hbm>> -> memref<1x20x512xi32, #tpu.memory_space<hbm>>
        %dma_start3A_46 = tpu.memref_squeeze %dma_start3A_45 : memref<1x20x512xi32, #tpu.memory_space<hbm>> -> memref<20x512xi32, #tpu.memory_space<hbm>>
        tpu.enqueue_dma source(%dma_start3A_46 : memref<20x512xi32, #tpu.memory_space<hbm>>) target(%arg8 : memref<20x512xi32, #tpu.memory_space<vmem>>) target_semaphore(%run_scoped3A_40 : memref<!tpu.dma_semaphore, #tpu.memory_space<semaphore_mem>>)
        %dma_wait3A_47 = arith.constant 0 : i32
        %dma_wait3A_48 = tpu.memref_slice %arg2[%run_scoped3A_39, %mul3A_38, %dma_wait3A_47] : memref<2x625x512xi32, #tpu.memory_space<hbm>> -> memref<1x20x512xi32, #tpu.memory_space<hbm>>
        %dma_wait3A_49 = tpu.memref_squeeze %dma_wait3A_48 : memref<1x20x512xi32, #tpu.memory_space<hbm>> -> memref<20x512xi32, #tpu.memory_space<hbm>>
        %dma_wait3A_50 = arith.constant 0 : i32
        %dma_wait3A_51 = tpu.memref_slice %arg2[%run_scoped3A_39, %mul3A_38, %dma_wait3A_50] : memref<2x625x512xi32, #tpu.memory_space<hbm>> -> memref<1x20x512xi32, #tpu.memory_space<hbm>>
        %dma_wait3A_52 = tpu.memref_squeeze %dma_wait3A_51 : memref<1x20x512xi32, #tpu.memory_space<hbm>> -> memref<20x512xi32, #tpu.memory_space<hbm>>
        tpu.wait_dma2 semaphore(%run_scoped3A_40 : memref<!tpu.dma_semaphore, #tpu.memory_space<semaphore_mem>>) src(%dma_wait3A_52 : memref<20x512xi32, #tpu.memory_space<hbm>>) dst(%arg8 : memref<20x512xi32, #tpu.memory_space<vmem>>)
        tpu.yield
      }) : () -> ()
    } else {
    }
    %eq3A = arith.constant 31 : i32
    %eq3A_3 = arith.cmpi eq, %add3A, %eq3A : i32
    %convert_element_type3A_4 = arith.extui %eq3A_3 : i1 to i32
    %cond3A_5 = arith.constant 0 : i32
    %cond3A_6 = arith.cmpi ne, %convert_element_type3A_4, %cond3A_5 : i32
    scf.if %cond3A_6 {
      %mul3A_35 = arith.constant 20 : i32
      %mul3A_36 = arith.muli %add3A, %mul3A_35 : i32
      %run_scoped3A = arith.constant 0 : i32
      "tpu.region"() ({
        %run_scoped3A_45 = tpu.sem_alloc : memref<!tpu.dma_semaphore, #tpu.memory_space<semaphore_mem>>
        %dma_start3A_46 = arith.constant 0 : i32
        %dma_start3A_47 = arith.constant 0 : i32
        %dma_start3A_48 = tpu.memref_slice %arg7[%dma_start3A_46, %dma_start3A_47] : memref<20x512xi32, #tpu.memory_space<vmem>> -> memref<5x512xi32, #tpu.memory_space<vmem>>
        %dma_start3A_49 = arith.constant 0 : i32
        %dma_start3A_50 = tpu.memref_slice %arg2[%run_scoped3A, %mul3A_36, %dma_start3A_49] : memref<2x625x512xi32, #tpu.memory_space<hbm>> -> memref<1x5x512xi32, #tpu.memory_space<hbm>>
        %dma_start3A_51 = tpu.memref_squeeze %dma_start3A_50 : memref<1x5x512xi32, #tpu.memory_space<hbm>> -> memref<5x512xi32, #tpu.memory_space<hbm>>
        %dma_start3A_52 = arith.constant 0 : i32
        %dma_start3A_53 = arith.constant 0 : i32
        %dma_start3A_54 = tpu.memref_slice %arg7[%dma_start3A_52, %dma_start3A_53] : memref<20x512xi32, #tpu.memory_space<vmem>> -> memref<5x512xi32, #tpu.memory_space<vmem>>
        %dma_start3A_55 = arith.constant 0 : i32
        %dma_start3A_56 = tpu.memref_slice %arg2[%run_scoped3A, %mul3A_36, %dma_start3A_55] : memref<2x625x512xi32, #tpu.memory_space<hbm>> -> memref<1x5x512xi32, #tpu.memory_space<hbm>>
        %dma_start3A_57 = tpu.memref_squeeze %dma_start3A_56 : memref<1x5x512xi32, #tpu.memory_space<hbm>> -> memref<5x512xi32, #tpu.memory_space<hbm>>
        tpu.enqueue_dma source(%dma_start3A_57 : memref<5x512xi32, #tpu.memory_space<hbm>>) target(%dma_start3A_54 : memref<5x512xi32, #tpu.memory_space<vmem>>) target_semaphore(%run_scoped3A_45 : memref<!tpu.dma_semaphore, #tpu.memory_space<semaphore_mem>>)
        %dma_wait3A_58 = arith.constant 0 : i32
        %dma_wait3A_59 = arith.constant 0 : i32
        %dma_wait3A_60 = tpu.memref_slice %arg7[%dma_wait3A_58, %dma_wait3A_59] : memref<20x512xi32, #tpu.memory_space<vmem>> -> memref<5x512xi32, #tpu.memory_space<vmem>>
        %dma_wait3A_61 = arith.constant 0 : i32
        %dma_wait3A_62 = tpu.memref_slice %arg2[%run_scoped3A, %mul3A_36, %dma_wait3A_61] : memref<2x625x512xi32, #tpu.memory_space<hbm>> -> memref<1x5x512xi32, #tpu.memory_space<hbm>>
        %dma_wait3A_63 = tpu.memref_squeeze %dma_wait3A_62 : memref<1x5x512xi32, #tpu.memory_space<hbm>> -> memref<5x512xi32, #tpu.memory_space<hbm>>
        %dma_wait3A_64 = arith.constant 0 : i32
        %dma_wait3A_65 = arith.constant 0 : i32
        %dma_wait3A_66 = tpu.memref_slice %arg7[%dma_wait3A_64, %dma_wait3A_65] : memref<20x512xi32, #tpu.memory_space<vmem>> -> memref<5x512xi32, #tpu.memory_space<vmem>>
        %dma_wait3A_67 = arith.constant 0 : i32
        %dma_wait3A_68 = tpu.memref_slice %arg2[%run_scoped3A, %mul3A_36, %dma_wait3A_67] : memref<2x625x512xi32, #tpu.memory_space<hbm>> -> memref<1x5x512xi32, #tpu.memory_space<hbm>>
        %dma_wait3A_69 = tpu.memref_squeeze %dma_wait3A_68 : memref<1x5x512xi32, #tpu.memory_space<hbm>> -> memref<5x512xi32, #tpu.memory_space<hbm>>
        tpu.wait_dma2 semaphore(%run_scoped3A_45 : memref<!tpu.dma_semaphore, #tpu.memory_space<semaphore_mem>>) src(%dma_wait3A_69 : memref<5x512xi32, #tpu.memory_space<hbm>>) dst(%dma_wait3A_66 : memref<5x512xi32, #tpu.memory_space<vmem>>)
        tpu.yield
      }) : () -> ()
      %mul3A_37 = arith.constant 20 : i32
      %mul3A_38 = arith.muli %add3A, %mul3A_37 : i32
      %run_scoped3A_39 = arith.constant 1 : i32
      "tpu.region"() ({
        %run_scoped3A_45 = tpu.sem_alloc : memref<!tpu.dma_semaphore, #tpu.memory_space<semaphore_mem>>
        %dma_start3A_46 = arith.constant 0 : i32
        %dma_start3A_47 = arith.constant 0 : i32
        %dma_start3A_48 = tpu.memref_slice %arg8[%dma_start3A_46, %dma_start3A_47] : memref<20x512xi32, #tpu.memory_space<vmem>> -> memref<5x512xi32, #tpu.memory_space<vmem>>
        %dma_start3A_49 = arith.constant 0 : i32
        %dma_start3A_50 = tpu.memref_slice %arg2[%run_scoped3A_39, %mul3A_38, %dma_start3A_49] : memref<2x625x512xi32, #tpu.memory_space<hbm>> -> memref<1x5x512xi32, #tpu.memory_space<hbm>>
        %dma_start3A_51 = tpu.memref_squeeze %dma_start3A_50 : memref<1x5x512xi32, #tpu.memory_space<hbm>> -> memref<5x512xi32, #tpu.memory_space<hbm>>
        %dma_start3A_52 = arith.constant 0 : i32
        %dma_start3A_53 = arith.constant 0 : i32
        %dma_start3A_54 = tpu.memref_slice %arg8[%dma_start3A_52, %dma_start3A_53] : memref<20x512xi32, #tpu.memory_space<vmem>> -> memref<5x512xi32, #tpu.memory_space<vmem>>
        %dma_start3A_55 = arith.constant 0 : i32
        %dma_start3A_56 = tpu.memref_slice %arg2[%run_scoped3A_39, %mul3A_38, %dma_start3A_55] : memref<2x625x512xi32, #tpu.memory_space<hbm>> -> memref<1x5x512xi32, #tpu.memory_space<hbm>>
        %dma_start3A_57 = tpu.memref_squeeze %dma_start3A_56 : memref<1x5x512xi32, #tpu.memory_space<hbm>> -> memref<5x512xi32, #tpu.memory_space<hbm>>
        tpu.enqueue_dma source(%dma_start3A_57 : memref<5x512xi32, #tpu.memory_space<hbm>>) target(%dma_start3A_54 : memref<5x512xi32, #tpu.memory_space<vmem>>) target_semaphore(%run_scoped3A_45 : memref<!tpu.dma_semaphore, #tpu.memory_space<semaphore_mem>>)
        %dma_wait3A_58 = arith.constant 0 : i32
        %dma_wait3A_59 = arith.constant 0 : i32
        %dma_wait3A_60 = tpu.memref_slice %arg8[%dma_wait3A_58, %dma_wait3A_59] : memref<20x512xi32, #tpu.memory_space<vmem>> -> memref<5x512xi32, #tpu.memory_space<vmem>>
        %dma_wait3A_61 = arith.constant 0 : i32
        %dma_wait3A_62 = tpu.memref_slice %arg2[%run_scoped3A_39, %mul3A_38, %dma_wait3A_61] : memref<2x625x512xi32, #tpu.memory_space<hbm>> -> memref<1x5x512xi32, #tpu.memory_space<hbm>>
        %dma_wait3A_63 = tpu.memref_squeeze %dma_wait3A_62 : memref<1x5x512xi32, #tpu.memory_space<hbm>> -> memref<5x512xi32, #tpu.memory_space<hbm>>
        %dma_wait3A_64 = arith.constant 0 : i32
        %dma_wait3A_65 = arith.constant 0 : i32
        %dma_wait3A_66 = tpu.memref_slice %arg8[%dma_wait3A_64, %dma_wait3A_65] : memref<20x512xi32, #tpu.memory_space<vmem>> -> memref<5x512xi32, #tpu.memory_space<vmem>>
        %dma_wait3A_67 = arith.constant 0 : i32
        %dma_wait3A_68 = tpu.memref_slice %arg2[%run_scoped3A_39, %mul3A_38, %dma_wait3A_67] : memref<2x625x512xi32, #tpu.memory_space<hbm>> -> memref<1x5x512xi32, #tpu.memory_space<hbm>>
        %dma_wait3A_69 = tpu.memref_squeeze %dma_wait3A_68 : memref<1x5x512xi32, #tpu.memory_space<hbm>> -> memref<5x512xi32, #tpu.memory_space<hbm>>
        tpu.wait_dma2 semaphore(%run_scoped3A_45 : memref<!tpu.dma_semaphore, #tpu.memory_space<semaphore_mem>>) src(%dma_wait3A_69 : memref<5x512xi32, #tpu.memory_space<hbm>>) dst(%dma_wait3A_66 : memref<5x512xi32, #tpu.memory_space<vmem>>)
        tpu.yield
      }) : () -> ()
      %iota3A = tpu.iota {dimensions = array<i32: 0>} : vector<16xi32>
      %scan3A_40 = arith.constant 0 : i32
      %scan3A_41 = arith.constant 480 : i32
      %scan3A_42 = arith.addi %scan3A_40, %scan3A_41 : i32
      %scan3A_43 = arith.constant 1 : i32
      scf.for %scan3A_45 = %scan3A_40 to %scan3A_42 step %scan3A_43  : i32 {
        %mul3A_46 = arith.constant 1 : i32
        %mul3A_47 = arith.muli %scan3A_45, %mul3A_46 : i32
        %add3A_48 = arith.constant 0 : i32
        %add3A_49 = arith.addi %add3A_48, %mul3A_47 : i32
        %jit3A = arith.constant 32 : i32
        %div3A = arith.divsi %add3A_49, %jit3A : i32
        %sign3A = arith.constant 0 : i32
        %sign3A_50 = arith.cmpi sgt, %add3A_49, %sign3A : i32
        %sign3A_51 = arith.extui %sign3A_50 : i1 to i32
        %sign3A_52 = arith.constant 0 : i32
        %sign3A_53 = arith.cmpi slt, %add3A_49, %sign3A_52 : i32
        %sign3A_54 = arith.extui %sign3A_53 : i1 to i32
        %sign3A_55 = arith.subi %sign3A_51, %sign3A_54 : i32
        %sign3A_56 = arith.constant 0 : i32
        %sign3A_57 = arith.cmpi sgt, %jit3A, %sign3A_56 : i32
        %sign3A_58 = arith.extui %sign3A_57 : i1 to i32
        %sign3A_59 = arith.constant 0 : i32
        %sign3A_60 = arith.cmpi slt, %jit3A, %sign3A_59 : i32
        %sign3A_61 = arith.extui %sign3A_60 : i1 to i32
        %sign3A_62 = arith.subi %sign3A_58, %sign3A_61 : i32
        %ne3A = arith.cmpi ne, %sign3A_55, %sign3A_62 : i32
        %rem3A = arith.remsi %add3A_49, %jit3A : i32
        %ne3A_63 = arith.constant 0 : i32
        %ne3A_64 = arith.cmpi ne, %rem3A, %ne3A_63 : i32
        %and3A = arith.andi %ne3A, %ne3A_64 : i1
        %sub3A = arith.constant 1 : i32
        %sub3A_65 = arith.subi %div3A, %sub3A : i32
        %select_n3A = arith.select %and3A, %sub3A_65, %div3A : i32
        %add3A_66 = arith.constant 5 : i32
        %add3A_67 = arith.addi %add3A_66, %select_n3A : i32
        %jit3A_68 = arith.constant 32 : i32
        %eq3A_69 = arith.constant 0 : i32
        %eq3A_70 = arith.cmpi eq, %jit3A_68, %eq3A_69 : i32
        %jit3A_71 = arith.constant 1 : i32
        %select_n3A_72 = arith.select %eq3A_70, %jit3A_71, %jit3A_68 : i32
        %rem3A_73 = arith.remsi %add3A_49, %select_n3A_72 : i32
        %ne3A_74 = arith.constant 0 : i32
        %ne3A_75 = arith.cmpi ne, %rem3A_73, %ne3A_74 : i32
        %lt3A_76 = arith.constant 0 : i32
        %lt3A_77 = arith.cmpi slt, %rem3A_73, %lt3A_76 : i32
        %lt3A_78 = arith.constant 0 : i32
        %lt3A_79 = arith.cmpi slt, %select_n3A_72, %lt3A_78 : i32
        %ne3A_80 = arith.xori %lt3A_77, %lt3A_79 : i1
        %and3A_81 = arith.andi %ne3A_80, %ne3A_75 : i1
        %add3A_82 = arith.addi %rem3A_73, %select_n3A_72 : i32
        %select_n3A_83 = arith.select %and3A_81, %add3A_82, %rem3A_73 : i32
        %mul3A_84 = arith.constant 16 : i32
        %mul3A_85 = arith.muli %select_n3A_83, %mul3A_84 : i32
        %mul3A_86 = arith.constant 16 : i32
        %mul3A_87 = arith.muli %add3A_49, %mul3A_86 : i32
        %add3A_88 = vector.broadcast %mul3A_87 : i32 to vector<16xi32>
        %add3A_89 = arith.addi %add3A_88, %iota3A : vector<16xi32>
        %rem3A_90 = arith.constant 10000 : i32
        %rem3A_91 = vector.broadcast %rem3A_90 : i32 to vector<16xi32>
        %rem3A_92 = arith.remsi %add3A_89, %rem3A_91 : vector<16xi32>
        %swap3A = arith.index_cast %add3A_67 : i32 to index
        %swap3A_93 = arith.index_cast %mul3A_85 : i32 to index
        %swap3A_94 = tpu.vector_load %arg7[%swap3A, %swap3A_93] {strides = array<i32>} : memref<20x512xi32, #tpu.memory_space<vmem>>, vector<1x16xi32>,
        %swap3A_95 = vector.shape_cast %swap3A_94 : vector<1x16xi32> to vector<16xi32>
        %swap3A_96 = vector.shape_cast %rem3A_92 : vector<16xi32> to vector<1x16xi32>
        tpu.vector_store %arg7[%swap3A, %swap3A_93], %swap3A_96 {strides = array<i32>} : memref<20x512xi32, #tpu.memory_space<vmem>>, vector<1x16xi32>,
        %rem3A_97 = arith.constant 112 : i32
        %rem3A_98 = vector.broadcast %rem3A_97 : i32 to vector<16xi32>
        %rem3A_99 = arith.remsi %add3A_89, %rem3A_98 : vector<16xi32>
        %add3A_100 = arith.constant 10000 : i32
        %add3A_101 = vector.broadcast %add3A_100 : i32 to vector<16xi32>
        %add3A_102 = arith.addi %add3A_101, %rem3A_99 : vector<16xi32>
        %swap3A_103 = arith.index_cast %add3A_67 : i32 to index
        %swap3A_104 = arith.index_cast %mul3A_85 : i32 to index
        %swap3A_105 = tpu.vector_load %arg8[%swap3A_103, %swap3A_104] {strides = array<i32>} : memref<20x512xi32, #tpu.memory_space<vmem>>, vector<1x16xi32>,
        %swap3A_106 = vector.shape_cast %swap3A_105 : vector<1x16xi32> to vector<16xi32>
        %swap3A_107 = vector.shape_cast %add3A_102 : vector<16xi32> to vector<1x16xi32>
        tpu.vector_store %arg8[%swap3A_103, %swap3A_104], %swap3A_107 {strides = array<i32>} : memref<20x512xi32, #tpu.memory_space<vmem>>, vector<1x16xi32>,
      }
      %scan3A_44 = arith.constant 480 : i32
    } else {
    }
    %mul3A_7 = arith.constant 632 : i32
    %mul3A_8 = arith.muli %arg1, %mul3A_7 : i32
    %mul3A_9 = arith.constant 632 : i32
    %mul3A_10 = arith.muli %arg1, %mul3A_9 : i32
    "tpu.region"() ({
      %run_scoped3A = tpu.sem_alloc : memref<!tpu.dma_semaphore, #tpu.memory_space<semaphore_mem>>
      %dma_start3A_35 = arith.constant 0 : i32
      %dma_start3A_36 = tpu.memref_slice %arg6[%mul3A_10, %dma_start3A_35] : memref<10112x32xf32, #tpu.memory_space<vmem_shared>> -> memref<632x32xf32, #tpu.memory_space<vmem_shared>>
      %dma_start3A_37 = arith.constant 0 : i32
      %dma_start3A_38 = tpu.memref_slice %arg4[%mul3A_8, %dma_start3A_37] : memref<10112x32xf32, #tpu.memory_space<hbm>> -> memref<632x32xf32, #tpu.memory_space<hbm>>
      tpu.enqueue_dma source(%dma_start3A_38 : memref<632x32xf32, #tpu.memory_space<hbm>>) target(%dma_start3A_36 : memref<632x32xf32, #tpu.memory_space<vmem_shared>>) target_semaphore(%run_scoped3A : memref<!tpu.dma_semaphore, #tpu.memory_space<semaphore_mem>>)
      %dma_wait3A_39 = arith.constant 0 : i32
      %dma_wait3A_40 = tpu.memref_slice %arg6[%mul3A_10, %dma_wait3A_39] : memref<10112x32xf32, #tpu.memory_space<vmem_shared>> -> memref<632x32xf32, #tpu.memory_space<vmem_shared>>
      %dma_wait3A_41 = arith.constant 0 : i32
      %dma_wait3A_42 = tpu.memref_slice %arg4[%mul3A_8, %dma_wait3A_41] : memref<10112x32xf32, #tpu.memory_space<hbm>> -> memref<632x32xf32, #tpu.memory_space<hbm>>
      tpu.wait_dma2 semaphore(%run_scoped3A : memref<!tpu.dma_semaphore, #tpu.memory_space<semaphore_mem>>) src(%dma_wait3A_42 : memref<632x32xf32, #tpu.memory_space<hbm>>) dst(%dma_wait3A_40 : memref<632x32xf32, #tpu.memory_space<vmem_shared>>)
      tpu.yield
    }) : () -> ()
    %dma_start3A = arith.constant 0 : i32
    %dma_start3A_11 = arith.constant 0 : i32
    %dma_start3A_12 = tpu.memref_slice %arg7[%dma_start3A, %dma_start3A_11] : memref<20x512xi32, #tpu.memory_space<vmem>> -> memref<1x512xi32, #tpu.memory_space<vmem>>
    %dma_start3A_13 = tpu.memref_squeeze %dma_start3A_12 : memref<1x512xi32, #tpu.memory_space<vmem>> -> memref<512xi32, #tpu.memory_space<vmem>>
    %dma_start3A_14 = arith.constant 0 : i32
    %dma_start3A_15 = arith.constant 0 : i32
    %dma_start3A_16 = tpu.memref_slice %arg3[%dma_start3A_14, %dma_start3A_15] : memref<10000x32xf32, #tpu.memory_space<hbm>> -> memref<10000x32xf32, #tpu.memory_space<hbm>>
    tpu.enqueue_indirect_dma source(%dma_start3A_16 : memref<10000x32xf32, #tpu.memory_space<hbm>>) target(%arg9 : memref<512x32xf32, #tpu.memory_space<vmem>>) offsets(%dma_start3A_13 : memref<512xi32, #tpu.memory_space<vmem>>) semaphore(%arg11 : memref<!tpu.dma_semaphore, #tpu.memory_space<semaphore_mem>>)
    %barrier3A = arith.constant 0 : index
    tpu.barrier barrier_id(%barrier3A)
    %scan3A = arith.constant 0 : i32
    %scan3A_17 = arith.constant 10 : i32
    %scan3A_18 = arith.addi %scan3A, %scan3A_17 : i32
    %scan3A_19 = arith.constant 1 : i32
    scf.for %scan3A_35 = %scan3A to %scan3A_18 step %scan3A_19  : i32 {
      %mul3A_36 = arith.constant 1 : i32
      %mul3A_37 = arith.muli %scan3A_35, %mul3A_36 : i32
      %add3A_38 = arith.constant 0 : i32
      %add3A_39 = arith.addi %add3A_38, %mul3A_37 : i32
      %mul3A_40 = arith.constant 2 : i32
      %mul3A_41 = arith.muli %mul3A_40, %add3A_39 : i32
      %dma_wait3A_42 = arith.constant 0 : i32
      %dma_wait3A_43 = arith.constant 0 : i32
      %dma_wait3A_44 = tpu.memref_slice %arg7[%dma_wait3A_42, %dma_wait3A_43] : memref<20x512xi32, #tpu.memory_space<vmem>> -> memref<1x512xi32, #tpu.memory_space<vmem>>
      %dma_wait3A_45 = tpu.memref_squeeze %dma_wait3A_44 : memref<1x512xi32, #tpu.memory_space<vmem>> -> memref<512xi32, #tpu.memory_space<vmem>>
      %dma_wait3A_46 = arith.constant 0 : i32
      %dma_wait3A_47 = arith.constant 0 : i32
      %dma_wait3A_48 = tpu.memref_slice %arg3[%dma_wait3A_46, %dma_wait3A_47] : memref<10000x32xf32, #tpu.memory_space<hbm>> -> memref<10000x32xf32, #tpu.memory_space<hbm>>
      tpu.wait_indirect_dma semaphore(%arg11 : memref<!tpu.dma_semaphore, #tpu.memory_space<semaphore_mem>>) src(%dma_wait3A_48 : memref<10000x32xf32, #tpu.memory_space<hbm>>) dst(%arg9 : memref<512x32xf32, #tpu.memory_space<vmem>>)
      %ge3A = arith.constant 1 : i32
      %ge3A_49 = arith.cmpi sge, %mul3A_41, %ge3A : i32
      %convert_element_type3A_50 = arith.extui %ge3A_49 : i1 to i32
      %cond3A_51 = arith.constant 0 : i32
      %cond3A_52 = arith.cmpi ne, %convert_element_type3A_50, %cond3A_51 : i32
      scf.if %cond3A_52 {
        %dma_wait3A_95 = arith.constant 0 : i32
        %dma_wait3A_96 = arith.constant 0 : i32
        %dma_wait3A_97 = tpu.memref_slice %arg8[%dma_wait3A_95, %dma_wait3A_96] : memref<20x512xi32, #tpu.memory_space<vmem>> -> memref<1x512xi32, #tpu.memory_space<vmem>>
        %dma_wait3A_98 = tpu.memref_squeeze %dma_wait3A_97 : memref<1x512xi32, #tpu.memory_space<vmem>> -> memref<512xi32, #tpu.memory_space<vmem>>
        %dma_wait3A_99 = arith.constant 0 : i32
        %dma_wait3A_100 = arith.constant 0 : i32
        %dma_wait3A_101 = tpu.memref_slice %arg6[%dma_wait3A_99, %dma_wait3A_100] : memref<10112x32xf32, #tpu.memory_space<vmem_shared>> -> memref<10112x32xf32, #tpu.memory_space<vmem_shared>>
        tpu.wait_indirect_dma semaphore(%arg14 : memref<!tpu.dma_semaphore, #tpu.memory_space<semaphore_mem>>) src(%arg10 : memref<512x32xf32, #tpu.memory_space<vmem>>) dst(%dma_wait3A_101 : memref<10112x32xf32, #tpu.memory_space<vmem_shared>>)
      } else {
      }
      %add3A_53 = arith.constant 1 : i32
      %add3A_54 = arith.addi %mul3A_41, %add3A_53 : i32
      %lt3A_55 = arith.constant 20 : i32
      %lt3A_56 = arith.cmpi slt, %add3A_54, %lt3A_55 : i32
      %convert_element_type3A_57 = arith.extui %lt3A_56 : i1 to i32
      %cond3A_58 = arith.constant 0 : i32
      %cond3A_59 = arith.cmpi ne, %convert_element_type3A_57, %cond3A_58 : i32
      scf.if %cond3A_59 {
        %add3A_95 = arith.constant 1 : i32
        %add3A_96 = arith.addi %mul3A_41, %add3A_95 : i32
        %dma_start3A_97 = arith.constant 0 : i32
        %dma_start3A_98 = tpu.memref_slice %arg7[%add3A_96, %dma_start3A_97] : memref<20x512xi32, #tpu.memory_space<vmem>> -> memref<1x512xi32, #tpu.memory_space<vmem>>
        %dma_start3A_99 = tpu.memref_squeeze %dma_start3A_98 : memref<1x512xi32, #tpu.memory_space<vmem>> -> memref<512xi32, #tpu.memory_space<vmem>>
        %dma_start3A_100 = arith.constant 0 : i32
        %dma_start3A_101 = arith.constant 0 : i32
        %dma_start3A_102 = tpu.memref_slice %arg3[%dma_start3A_100, %dma_start3A_101] : memref<10000x32xf32, #tpu.memory_space<hbm>> -> memref<10000x32xf32, #tpu.memory_space<hbm>>
        tpu.enqueue_indirect_dma source(%dma_start3A_102 : memref<10000x32xf32, #tpu.memory_space<hbm>>) target(%arg10 : memref<512x32xf32, #tpu.memory_space<vmem>>) offsets(%dma_start3A_99 : memref<512xi32, #tpu.memory_space<vmem>>) semaphore(%arg12 : memref<!tpu.dma_semaphore, #tpu.memory_space<semaphore_mem>>)
      } else {
      }
      %dma_start3A_60 = arith.constant 0 : i32
      %dma_start3A_61 = tpu.memref_slice %arg8[%mul3A_41, %dma_start3A_60] : memref<20x512xi32, #tpu.memory_space<vmem>> -> memref<1x512xi32, #tpu.memory_space<vmem>>
      %dma_start3A_62 = tpu.memref_squeeze %dma_start3A_61 : memref<1x512xi32, #tpu.memory_space<vmem>> -> memref<512xi32, #tpu.memory_space<vmem>>
      %dma_start3A_63 = arith.constant 0 : i32
      %dma_start3A_64 = arith.constant 0 : i32
      %dma_start3A_65 = tpu.memref_slice %arg6[%dma_start3A_63, %dma_start3A_64] : memref<10112x32xf32, #tpu.memory_space<vmem_shared>> -> memref<10112x32xf32, #tpu.memory_space<vmem_shared>>
      tpu.enqueue_indirect_dma source(%arg9 : memref<512x32xf32, #tpu.memory_space<vmem>>) target(%dma_start3A_65 : memref<10112x32xf32, #tpu.memory_space<vmem_shared>>) offsets(%dma_start3A_62 : memref<512xi32, #tpu.memory_space<vmem>>) semaphore(%arg13 : memref<!tpu.dma_semaphore, #tpu.memory_space<semaphore_mem>>) {add = true}
      %mul3A_66 = arith.constant 2 : i32
      %mul3A_67 = arith.muli %mul3A_66, %add3A_39 : i32
      %add3A_68 = arith.constant 1 : i32
      %add3A_69 = arith.addi %mul3A_67, %add3A_68 : i32
      %dma_wait3A_70 = arith.constant 0 : i32
      %dma_wait3A_71 = arith.constant 0 : i32
      %dma_wait3A_72 = tpu.memref_slice %arg7[%dma_wait3A_70, %dma_wait3A_71] : memref<20x512xi32, #tpu.memory_space<vmem>> -> memref<1x512xi32, #tpu.memory_space<vmem>>
      %dma_wait3A_73 = tpu.memref_squeeze %dma_wait3A_72 : memref<1x512xi32, #tpu.memory_space<vmem>> -> memref<512xi32, #tpu.memory_space<vmem>>
      %dma_wait3A_74 = arith.constant 0 : i32
      %dma_wait3A_75 = arith.constant 0 : i32
      %dma_wait3A_76 = tpu.memref_slice %arg3[%dma_wait3A_74, %dma_wait3A_75] : memref<10000x32xf32, #tpu.memory_space<hbm>> -> memref<10000x32xf32, #tpu.memory_space<hbm>>
      tpu.wait_indirect_dma semaphore(%arg12 : memref<!tpu.dma_semaphore, #tpu.memory_space<semaphore_mem>>) src(%dma_wait3A_76 : memref<10000x32xf32, #tpu.memory_space<hbm>>) dst(%arg10 : memref<512x32xf32, #tpu.memory_space<vmem>>)
      %ge3A_77 = arith.constant 1 : i32
      %ge3A_78 = arith.cmpi sge, %add3A_69, %ge3A_77 : i32
      %convert_element_type3A_79 = arith.extui %ge3A_78 : i1 to i32
      %cond3A_80 = arith.constant 0 : i32
      %cond3A_81 = arith.cmpi ne, %convert_element_type3A_79, %cond3A_80 : i32
      scf.if %cond3A_81 {
        %dma_wait3A_95 = arith.constant 0 : i32
        %dma_wait3A_96 = arith.constant 0 : i32
        %dma_wait3A_97 = tpu.memref_slice %arg8[%dma_wait3A_95, %dma_wait3A_96] : memref<20x512xi32, #tpu.memory_space<vmem>> -> memref<1x512xi32, #tpu.memory_space<vmem>>
        %dma_wait3A_98 = tpu.memref_squeeze %dma_wait3A_97 : memref<1x512xi32, #tpu.memory_space<vmem>> -> memref<512xi32, #tpu.memory_space<vmem>>
        %dma_wait3A_99 = arith.constant 0 : i32
        %dma_wait3A_100 = arith.constant 0 : i32
        %dma_wait3A_101 = tpu.memref_slice %arg6[%dma_wait3A_99, %dma_wait3A_100] : memref<10112x32xf32, #tpu.memory_space<vmem_shared>> -> memref<10112x32xf32, #tpu.memory_space<vmem_shared>>
        tpu.wait_indirect_dma semaphore(%arg13 : memref<!tpu.dma_semaphore, #tpu.memory_space<semaphore_mem>>) src(%arg9 : memref<512x32xf32, #tpu.memory_space<vmem>>) dst(%dma_wait3A_101 : memref<10112x32xf32, #tpu.memory_space<vmem_shared>>)
      } else {
      }
      %add3A_82 = arith.constant 1 : i32
      %add3A_83 = arith.addi %add3A_69, %add3A_82 : i32
      %lt3A_84 = arith.constant 20 : i32
      %lt3A_85 = arith.cmpi slt, %add3A_83, %lt3A_84 : i32
      %convert_element_type3A_86 = arith.extui %lt3A_85 : i1 to i32
      %cond3A_87 = arith.constant 0 : i32
      %cond3A_88 = arith.cmpi ne, %convert_element_type3A_86, %cond3A_87 : i32
      scf.if %cond3A_88 {
        %add3A_95 = arith.constant 1 : i32
        %add3A_96 = arith.addi %add3A_69, %add3A_95 : i32
        %dma_start3A_97 = arith.constant 0 : i32
        %dma_start3A_98 = tpu.memref_slice %arg7[%add3A_96, %dma_start3A_97] : memref<20x512xi32, #tpu.memory_space<vmem>> -> memref<1x512xi32, #tpu.memory_space<vmem>>
        %dma_start3A_99 = tpu.memref_squeeze %dma_start3A_98 : memref<1x512xi32, #tpu.memory_space<vmem>> -> memref<512xi32, #tpu.memory_space<vmem>>
        %dma_start3A_100 = arith.constant 0 : i32
        %dma_start3A_101 = arith.constant 0 : i32
        %dma_start3A_102 = tpu.memref_slice %arg3[%dma_start3A_100, %dma_start3A_101] : memref<10000x32xf32, #tpu.memory_space<hbm>> -> memref<10000x32xf32, #tpu.memory_space<hbm>>
        tpu.enqueue_indirect_dma source(%dma_start3A_102 : memref<10000x32xf32, #tpu.memory_space<hbm>>) target(%arg9 : memref<512x32xf32, #tpu.memory_space<vmem>>) offsets(%dma_start3A_99 : memref<512xi32, #tpu.memory_space<vmem>>) semaphore(%arg11 : memref<!tpu.dma_semaphore, #tpu.memory_space<semaphore_mem>>)
      } else {
      }
      %dma_start3A_89 = arith.constant 0 : i32
      %dma_start3A_90 = tpu.memref_slice %arg8[%add3A_69, %dma_start3A_89] : memref<20x512xi32, #tpu.memory_space<vmem>> -> memref<1x512xi32, #tpu.memory_space<vmem>>
      %dma_start3A_91 = tpu.memref_squeeze %dma_start3A_90 : memref<1x512xi32, #tpu.memory_space<vmem>> -> memref<512xi32, #tpu.memory_space<vmem>>
      %dma_start3A_92 = arith.constant 0 : i32
      %dma_start3A_93 = arith.constant 0 : i32
      %dma_start3A_94 = tpu.memref_slice %arg6[%dma_start3A_92, %dma_start3A_93] : memref<10112x32xf32, #tpu.memory_space<vmem_shared>> -> memref<10112x32xf32, #tpu.memory_space<vmem_shared>>
      tpu.enqueue_indirect_dma source(%arg10 : memref<512x32xf32, #tpu.memory_space<vmem>>) target(%dma_start3A_94 : memref<10112x32xf32, #tpu.memory_space<vmem_shared>>) offsets(%dma_start3A_91 : memref<512xi32, #tpu.memory_space<vmem>>) semaphore(%arg14 : memref<!tpu.dma_semaphore, #tpu.memory_space<semaphore_mem>>) {add = true}
    }
    %scan3A_20 = arith.constant 10 : i32
    %dma_wait3A = arith.constant 0 : i32
    %dma_wait3A_21 = arith.constant 0 : i32
    %dma_wait3A_22 = tpu.memref_slice %arg8[%dma_wait3A, %dma_wait3A_21] : memref<20x512xi32, #tpu.memory_space<vmem>> -> memref<1x512xi32, #tpu.memory_space<vmem>>
    %dma_wait3A_23 = tpu.memref_squeeze %dma_wait3A_22 : memref<1x512xi32, #tpu.memory_space<vmem>> -> memref<512xi32, #tpu.memory_space<vmem>>
    %dma_wait3A_24 = arith.constant 0 : i32
    %dma_wait3A_25 = arith.constant 0 : i32
    %dma_wait3A_26 = tpu.memref_slice %arg6[%dma_wait3A_24, %dma_wait3A_25] : memref<10112x32xf32, #tpu.memory_space<vmem_shared>> -> memref<10112x32xf32, #tpu.memory_space<vmem_shared>>
    tpu.wait_indirect_dma semaphore(%arg14 : memref<!tpu.dma_semaphore, #tpu.memory_space<semaphore_mem>>) src(%arg10 : memref<512x32xf32, #tpu.memory_space<vmem>>) dst(%dma_wait3A_26 : memref<10112x32xf32, #tpu.memory_space<vmem_shared>>)
    %barrier3A_27 = arith.constant 0 : index
    tpu.barrier barrier_id(%barrier3A_27)
    %mul3A_28 = arith.constant 632 : i32
    %mul3A_29 = arith.muli %arg1, %mul3A_28 : i32
    %mul3A_30 = arith.constant 10112 : i32
    %mul3A_31 = arith.muli %arg0, %mul3A_30 : i32
    %mul3A_32 = arith.constant 632 : i32
    %mul3A_33 = arith.muli %arg1, %mul3A_32 : i32
    %add3A_34 = arith.addi %mul3A_31, %mul3A_33 : i32
    "tpu.region"() ({
      %run_scoped3A = tpu.sem_alloc : memref<!tpu.dma_semaphore, #tpu.memory_space<semaphore_mem>>
      %dma_start3A_35 = arith.constant 0 : i32
      %dma_start3A_36 = tpu.memref_slice %arg5[%add3A_34, %dma_start3A_35] : memref<20224x32xf32, #tpu.memory_space<hbm>> -> memref<632x32xf32, #tpu.memory_space<hbm>>
      %dma_start3A_37 = arith.constant 0 : i32
      %dma_start3A_38 = tpu.memref_slice %arg6[%mul3A_29, %dma_start3A_37] : memref<10112x32xf32, #tpu.memory_space<vmem_shared>> -> memref<632x32xf32, #tpu.memory_space<vmem_shared>>
      tpu.enqueue_dma source(%dma_start3A_38 : memref<632x32xf32, #tpu.memory_space<vmem_shared>>) target(%dma_start3A_36 : memref<632x32xf32, #tpu.memory_space<hbm>>) target_semaphore(%run_scoped3A : memref<!tpu.dma_semaphore, #tpu.memory_space<semaphore_mem>>)
      %dma_wait3A_39 = arith.constant 0 : i32
      %dma_wait3A_40 = tpu.memref_slice %arg5[%add3A_34, %dma_wait3A_39] : memref<20224x32xf32, #tpu.memory_space<hbm>> -> memref<632x32xf32, #tpu.memory_space<hbm>>
      %dma_wait3A_41 = arith.constant 0 : i32
      %dma_wait3A_42 = tpu.memref_slice %arg6[%mul3A_29, %dma_wait3A_41] : memref<10112x32xf32, #tpu.memory_space<vmem_shared>> -> memref<632x32xf32, #tpu.memory_space<vmem_shared>>
      tpu.wait_dma2 semaphore(%run_scoped3A : memref<!tpu.dma_semaphore, #tpu.memory_space<semaphore_mem>>) src(%dma_wait3A_42 : memref<632x32xf32, #tpu.memory_space<vmem_shared>>) dst(%dma_wait3A_40 : memref<632x32xf32, #tpu.memory_space<hbm>>)
      tpu.yield
    }) : () -> ()
    return
  }
}

module attributes {stable_mosaic.version = 14 : i64} {
  func.func @_pre_body(%arg0: memref<10000x128xf32, #tpu.memory_space<vmem>>, %arg1: memref<256x64xf32, #tpu.memory_space<vmem>>, %arg2: memref<10000x64xf32, #tpu.memory_space<vmem>>) attributes {dimension_semantics = [], scalar_prefetch = 0 : i64, scratch_operands = 0 : i64, tpu.core_type = #tpu.core_type<tc>} {
    %get3A = arith.constant 0 : index
    %get3A_0 = arith.constant 0 : index
    %get3A_1 = vector.load %arg0[%get3A, %get3A_0] : memref<10000x128xf32, #tpu.memory_space<vmem>>, vector<10000x128xf32>
    %get3A_2 = arith.constant 128 : index
    %get3A_3 = arith.constant 0 : index
    %get3A_4 = vector.load %arg1[%get3A_2, %get3A_3] : memref<256x64xf32, #tpu.memory_space<vmem>>, vector<128x64xf32>
    %dot_general3A = arith.constant dense<0.000000e+00> : vector<10000x64xf32>
    %dot_general3A_5 = tpu.matmul %get3A_1, %get3A_4, %dot_general3A {dimension_numbers = #tpu.dot_dimension_numbers<[1], [0], [0], [1], [0, 0, 1, 1], [], []>, transpose_lhs_hint = false} : vector<10000x128xf32>, vector<128x64xf32>, vector<10000x64xf32> -> vector<10000x64xf32>
    %swap3A = arith.constant 0 : index
    %swap3A_6 = arith.constant 0 : index
    %swap3A_7 = vector.load %arg2[%swap3A, %swap3A_6] : memref<10000x64xf32, #tpu.memory_space<vmem>>, vector<10000x64xf32>
    tpu.vector_store %arg2[%swap3A, %swap3A_6], %dot_general3A_5 {strides = array<i32>} : memref<10000x64xf32, #tpu.memory_space<vmem>>, vector<10000x64xf32>,
    return
  }
}

module attributes {stable_mosaic.version = 14 : i64} {
  func.func @_mid_body(%arg0: memref<20224x64xf32, #tpu.memory_space<vmem>>, %arg1: memref<32x10112xf32, #tpu.memory_space<vmem>>, %arg2: memref<10000x128xf32, #tpu.memory_space<vmem>>, %arg3: memref<256x64xf32, #tpu.memory_space<vmem>>, %arg4: memref<64xf32, #tpu.memory_space<vmem>>, %arg5: memref<128x32xf32, #tpu.memory_space<vmem>>, %arg6: memref<10000x32xf32, #tpu.memory_space<vmem>>, %arg7: memref<10000x32xf32, #tpu.memory_space<vmem>>) attributes {dimension_semantics = [], scalar_prefetch = 0 : i64, scratch_operands = 0 : i64, tpu.core_type = #tpu.core_type<tc>} {
    %get3A = arith.constant 0 : index
    %get3A_0 = arith.constant 0 : index
    %get3A_1 = vector.load %arg0[%get3A, %get3A_0] : memref<20224x64xf32, #tpu.memory_space<vmem>>, vector<10000x64xf32>
    %get3A_2 = arith.constant 10112 : index
    %get3A_3 = arith.constant 0 : index
    %get3A_4 = vector.load %arg0[%get3A_2, %get3A_3] : memref<20224x64xf32, #tpu.memory_space<vmem>>, vector<10000x64xf32>
    %add3A = arith.addf %get3A_1, %get3A_4 : vector<10000x64xf32>
    %broadcast_in_dim3A = arith.constant 1.000000e+00 : f32
    %broadcast_in_dim3A_5 = vector.broadcast %broadcast_in_dim3A : f32 to vector<32x1xf32>
    %get3A_6 = arith.constant 0 : index
    %get3A_7 = arith.constant 0 : index
    %get3A_8 = vector.load %arg1[%get3A_6, %get3A_7] : memref<32x10112xf32, #tpu.memory_space<vmem>>, vector<32x10112xf32>
    %dot_general3A = arith.constant dense<0.000000e+00> : vector<10112x1xf32>
    %dot_general3A_9 = tpu.matmul %get3A_8, %broadcast_in_dim3A_5, %dot_general3A {dimension_numbers = #tpu.dot_dimension_numbers<[0], [0], [1], [1], [0, 1, 1, 1], [], []>, transpose_lhs_hint = false} : vector<32x10112xf32>, vector<32x1xf32>, vector<10112x1xf32> -> vector<10112x1xf32>
    %slice3A = vector.extract_strided_slice %dot_general3A_9 {offsets = [0, 0], sizes = [10000, 1], strides = [1, 1]} : vector<10112x1xf32> to vector<10000x1xf32>
    %max3A = arith.constant 1.000000e+00 : f32
    %max3A_10 = vector.broadcast %max3A : f32 to vector<10000x1xf32>
    %max3A_11 = arith.maximumf %slice3A, %max3A_10 : vector<10000x1xf32>
    %div3A = arith.constant 1.000000e+00 : f32
    %div3A_12 = vector.broadcast %div3A : f32 to vector<10000x1xf32>
    %div3A_13 = arith.divf %div3A_12, %max3A_11 : vector<10000x1xf32>
    %get3A_14 = arith.constant 0 : index
    %get3A_15 = arith.constant 0 : index
    %get3A_16 = vector.load %arg2[%get3A_14, %get3A_15] : memref<10000x128xf32, #tpu.memory_space<vmem>>, vector<10000x128xf32>
    %get3A_17 = arith.constant 0 : index
    %get3A_18 = arith.constant 0 : index
    %get3A_19 = vector.load %arg3[%get3A_17, %get3A_18] : memref<256x64xf32, #tpu.memory_space<vmem>>, vector<128x64xf32>
    %dot_general3A_20 = arith.constant dense<0.000000e+00> : vector<10000x64xf32>
    %dot_general3A_21 = tpu.matmul %get3A_16, %get3A_19, %dot_general3A_20 {dimension_numbers = #tpu.dot_dimension_numbers<[1], [0], [0], [1], [0, 0, 1, 1], [], []>, transpose_lhs_hint = false} : vector<10000x128xf32>, vector<128x64xf32>, vector<10000x64xf32> -> vector<10000x64xf32>
    %mul3A = vector.broadcast %div3A_13 : vector<10000x1xf32> to vector<10000x64xf32>
    %mul3A_22 = arith.mulf %add3A, %mul3A : vector<10000x64xf32>
    %add3A_23 = arith.addf %dot_general3A_21, %mul3A_22 : vector<10000x64xf32>
    %get3A_24 = arith.constant 0 : index
    %get3A_25 = vector.load %arg4[%get3A_24] : memref<64xf32, #tpu.memory_space<vmem>>, vector<64xf32>
    %reshape3A = vector.shape_cast %get3A_25 : vector<64xf32> to vector<1x64xf32>
    %add3A_26 = vector.broadcast %reshape3A : vector<1x64xf32> to vector<10000x64xf32>
    %add3A_27 = arith.addf %add3A_23, %add3A_26 : vector<10000x64xf32>
    %max3A_28 = arith.constant 0.000000e+00 : f32
    %max3A_29 = vector.broadcast %max3A_28 : f32 to vector<10000x64xf32>
    %max3A_30 = arith.maximumf %add3A_27, %max3A_29 : vector<10000x64xf32>
    %get3A_31 = arith.constant 64 : index
    %get3A_32 = arith.constant 0 : index
    %get3A_33 = vector.load %arg5[%get3A_31, %get3A_32] : memref<128x32xf32, #tpu.memory_space<vmem>>, vector<64x32xf32>
    %dot_general3A_34 = arith.constant dense<0.000000e+00> : vector<10000x32xf32>
    %dot_general3A_35 = tpu.matmul %max3A_30, %get3A_33, %dot_general3A_34 {dimension_numbers = #tpu.dot_dimension_numbers<[1], [0], [0], [1], [0, 0, 1, 1], [], []>, transpose_lhs_hint = false} : vector<10000x64xf32>, vector<64x32xf32>, vector<10000x32xf32> -> vector<10000x32xf32>
    %swap3A = arith.constant 0 : index
    %swap3A_36 = arith.constant 0 : index
    %swap3A_37 = vector.load %arg6[%swap3A, %swap3A_36] : memref<10000x32xf32, #tpu.memory_space<vmem>>, vector<10000x32xf32>
    tpu.vector_store %arg6[%swap3A, %swap3A_36], %dot_general3A_35 {strides = array<i32>} : memref<10000x32xf32, #tpu.memory_space<vmem>>, vector<10000x32xf32>,
    %get3A_38 = arith.constant 0 : index
    %get3A_39 = arith.constant 0 : index
    %get3A_40 = vector.load %arg5[%get3A_38, %get3A_39] : memref<128x32xf32, #tpu.memory_space<vmem>>, vector<64x32xf32>
    %dot_general3A_41 = arith.constant dense<0.000000e+00> : vector<10000x32xf32>
    %dot_general3A_42 = tpu.matmul %max3A_30, %get3A_40, %dot_general3A_41 {dimension_numbers = #tpu.dot_dimension_numbers<[1], [0], [0], [1], [0, 0, 1, 1], [], []>, transpose_lhs_hint = false} : vector<10000x64xf32>, vector<64x32xf32>, vector<10000x32xf32> -> vector<10000x32xf32>
    %swap3A_43 = arith.constant 0 : index
    %swap3A_44 = arith.constant 0 : index
    %swap3A_45 = vector.load %arg7[%swap3A_43, %swap3A_44] : memref<10000x32xf32, #tpu.memory_space<vmem>>, vector<10000x32xf32>
    tpu.vector_store %arg7[%swap3A_43, %swap3A_44], %dot_general3A_42 {strides = array<i32>} : memref<10000x32xf32, #tpu.memory_space<vmem>>, vector<10000x32xf32>,
    return
  }
}

module attributes {stable_mosaic.version = 14 : i64} {
  func.func @_post_body(%arg0: memref<20224x32xf32, #tpu.memory_space<vmem>>, %arg1: memref<32x10112xf32, #tpu.memory_space<vmem>>, %arg2: memref<10000x32xf32, #tpu.memory_space<vmem>>, %arg3: memref<32xf32, #tpu.memory_space<vmem>>, %arg4: memref<32x1xf32, #tpu.memory_space<vmem>>, %arg5: memref<1xf32, #tpu.memory_space<vmem>>, %arg6: memref<10000x1xf32, #tpu.memory_space<vmem>>) attributes {dimension_semantics = [], scalar_prefetch = 0 : i64, scratch_operands = 0 : i64, tpu.core_type = #tpu.core_type<tc>} {
    %get3A = arith.constant 0 : index
    %get3A_0 = arith.constant 0 : index
    %get3A_1 = vector.load %arg0[%get3A, %get3A_0] : memref<20224x32xf32, #tpu.memory_space<vmem>>, vector<10000x32xf32>
    %get3A_2 = arith.constant 10112 : index
    %get3A_3 = arith.constant 0 : index
    %get3A_4 = vector.load %arg0[%get3A_2, %get3A_3] : memref<20224x32xf32, #tpu.memory_space<vmem>>, vector<10000x32xf32>
    %add3A = arith.addf %get3A_1, %get3A_4 : vector<10000x32xf32>
    %broadcast_in_dim3A = arith.constant 1.000000e+00 : f32
    %broadcast_in_dim3A_5 = vector.broadcast %broadcast_in_dim3A : f32 to vector<32x1xf32>
    %get3A_6 = arith.constant 0 : index
    %get3A_7 = arith.constant 0 : index
    %get3A_8 = vector.load %arg1[%get3A_6, %get3A_7] : memref<32x10112xf32, #tpu.memory_space<vmem>>, vector<32x10112xf32>
    %dot_general3A = arith.constant dense<0.000000e+00> : vector<10112x1xf32>
    %dot_general3A_9 = tpu.matmul %get3A_8, %broadcast_in_dim3A_5, %dot_general3A {dimension_numbers = #tpu.dot_dimension_numbers<[0], [0], [1], [1], [0, 1, 1, 1], [], []>, transpose_lhs_hint = false} : vector<32x10112xf32>, vector<32x1xf32>, vector<10112x1xf32> -> vector<10112x1xf32>
    %slice3A = vector.extract_strided_slice %dot_general3A_9 {offsets = [0, 0], sizes = [10000, 1], strides = [1, 1]} : vector<10112x1xf32> to vector<10000x1xf32>
    %max3A = arith.constant 1.000000e+00 : f32
    %max3A_10 = vector.broadcast %max3A : f32 to vector<10000x1xf32>
    %max3A_11 = arith.maximumf %slice3A, %max3A_10 : vector<10000x1xf32>
    %div3A = arith.constant 1.000000e+00 : f32
    %div3A_12 = vector.broadcast %div3A : f32 to vector<10000x1xf32>
    %div3A_13 = arith.divf %div3A_12, %max3A_11 : vector<10000x1xf32>
    %mul3A = vector.broadcast %div3A_13 : vector<10000x1xf32> to vector<10000x32xf32>
    %mul3A_14 = arith.mulf %add3A, %mul3A : vector<10000x32xf32>
    %get3A_15 = arith.constant 0 : index
    %get3A_16 = arith.constant 0 : index
    %get3A_17 = vector.load %arg2[%get3A_15, %get3A_16] : memref<10000x32xf32, #tpu.memory_space<vmem>>, vector<10000x32xf32>
    %add3A_18 = arith.addf %get3A_17, %mul3A_14 : vector<10000x32xf32>
    %get3A_19 = arith.constant 0 : index
    %get3A_20 = vector.load %arg3[%get3A_19] : memref<32xf32, #tpu.memory_space<vmem>>, vector<32xf32>
    %reshape3A = vector.shape_cast %get3A_20 : vector<32xf32> to vector<1x32xf32>
    %add3A_21 = vector.broadcast %reshape3A : vector<1x32xf32> to vector<10000x32xf32>
    %add3A_22 = arith.addf %add3A_18, %add3A_21 : vector<10000x32xf32>
    %max3A_23 = arith.constant 0.000000e+00 : f32
    %max3A_24 = vector.broadcast %max3A_23 : f32 to vector<10000x32xf32>
    %max3A_25 = arith.maximumf %add3A_22, %max3A_24 : vector<10000x32xf32>
    %get3A_26 = arith.constant 0 : index
    %get3A_27 = arith.constant 0 : index
    %get3A_28 = vector.load %arg4[%get3A_26, %get3A_27] : memref<32x1xf32, #tpu.memory_space<vmem>>, vector<32x1xf32>
    %dot_general3A_29 = arith.constant dense<0.000000e+00> : vector<10000x1xf32>
    %dot_general3A_30 = tpu.matmul %max3A_25, %get3A_28, %dot_general3A_29 {dimension_numbers = #tpu.dot_dimension_numbers<[1], [0], [0], [1], [0, 0, 1, 1], [], []>, transpose_lhs_hint = false} : vector<10000x32xf32>, vector<32x1xf32>, vector<10000x1xf32> -> vector<10000x1xf32>
    %get3A_31 = arith.constant 0 : index
    %get3A_32 = vector.load %arg5[%get3A_31] : memref<1xf32, #tpu.memory_space<vmem>>, vector<1xf32>
    %reshape3A_33 = vector.shape_cast %get3A_32 : vector<1xf32> to vector<1x1xf32>
    %add3A_34 = vector.broadcast %reshape3A_33 : vector<1x1xf32> to vector<10000x1xf32>
    %add3A_35 = arith.addf %dot_general3A_30, %add3A_34 : vector<10000x1xf32>
    %swap3A = arith.constant 0 : index
    %swap3A_36 = arith.constant 0 : index
    %swap3A_37 = vector.load %arg6[%swap3A, %swap3A_36] : memref<10000x1xf32, #tpu.memory_space<vmem>>, vector<10000x1xf32>
    tpu.vector_store %arg6[%swap3A, %swap3A_36], %add3A_35 {strides = array<i32>} : memref<10000x1xf32, #tpu.memory_space<vmem>>, vector<10000x1xf32>,
    return
  }
}

</mosaic_0001>

<sc_bundles>
// kernel: kernel.10.cloned.1.call-start
scs
__scs_entry_jumppad:
0x0: {  	(pc) =	sbr.rel $0x88, $3  }
0x1: {  	(tag) =	ssettag $0x0;
	lr =	simm.s32 $0x1  }
0x2: {  	[smem:$0x3F99] =	sst lr;
	_ =	strace $0xD0000000  }
0x3: {  	_ = 	snop  }
0x4: {  	_ = 	snop  }
0x5: {  	_ = 	snop  }
0x6: {  	_ = 	snop  }
0x7: {  	_ = 	snop  }
__scs_overlays_trampoline_lowered:
0x8: {  	[smem:$0x3FA8] =	sst s0  }
0x9: {  	[smem:$0x3FA9] =	sst s1  }
0xa: {  	[smem:$0x3FAA] =	sst s2  }
0xb: {  	[smem:$0x3FAB] =	sst s3  }
0xc: {  	[smem:$0x3FAC] =	sst s4  }
0xd: {  	[smem:$0x3FAD] =	sst s5  }
0xe: {  	[smem:$0x3FAE] =	sst s6  }
0xf: {  	[smem:$0x3FAF] =	sst s7  }
0x10: {  	[smem:$0x3FB0] =	sst s8  }
0x11: {  	[smem:$0x3FB1] =	sst s9;
	s0 =	simm.s32 @!p0 $0x0  }
0x12: {  	s1 =	sld [smem:$0x3F97];
	s0 =	simm.s32 @p0 $0x1  }
0x13: {  	[smem:$0x3FB2] =	sst s0;
	s0 =	simm.s32 @!p1 $0x0  }
0x14: {  	s2 =	sld [smem:$0x3F96];
	s0 =	simm.s32 @p1 $0x1  }
0x15: {  	[smem:$0x3FB3] =	sst s0;
	s0 =	simm.s32 @!p2 $0x0  }
0x16: {  	s3 =	sld [smem:$0x3FDB];
	s0 =	simm.s32 @p2 $0x1  }
0x17: {  	s4 =	simm.s32 $0x1BF5;
	[smem:$0x3FB5] =	sst s0  }
0x18: {  	s0 =	sld [smem:$0x3F98];
	_ =	swait.ge [sflag:s4], $0x0  }
0x19: {  	s7 =	sld [smem:$0x3F99]  }
0x1a: {  	s8 =	sadd.s32 $0xFFFFE003, lr  }
0x1b: {  	s9 =	sadd.s32 $0xFFFFFEF7, lr;
	s5 =	simm.s32 $0xFFFFFFFF;
	p2 =	slt.u32 s8, $0xFFFFF086  }
0x1c: {  	p1 =	slt.u32 s9, $0xF7A;
	s5 =	simm.s32 @!p2 $0x0  }
0x1d: {  	s5 =	simm.s32 @p1 $0x1;
	p0 =	seq.s32 s7, s2  }
0x1e: {  	s7 =	smul.u32 @!p0 $0xF7A, s2;
	p2 =	seq.s32 @!p0 s5, $0x0  }
0x1f: {  	s9 =	smul.u32 $0xF7A, s1;
	s8 =	simm.s32 @!p0 $0x1BF5;
	p2 =	por !p2, p0  }
0x20: {  	[sflag:s8] =	ssyncset.s32 @!p0 $0xFFFFF086;
	s6 =	sadd.s32 @!p0 s3, s7;
	s7 =	simm.s32 @!p0 $0x108  }
0x21: {  	s3 =	sadd.s32 s3, s9;
	s6 =	sadd.s32 @!p0 $0x88, s6;
	s7 =	simm.s32 @p2 $0x1082  }
0x22: {  	[simem:s7], [sflag:s8] =	dma.local @!p0 [hbm:s6], $0xF7A  }
0x23: {  	s9 =	sor.u32 $0xD0000000, s2;
	s6 =	simm.s32 $0x108;
	_ =	swait.ge @!p0 [sflag:s8], $0x0  }
0x24: {  	s3 =	sadd.s32 $0x88, s3;
	s6 =	simm.s32 @!p1 $0x1082;
	[sflag:s4] =	ssyncset.s32 $0xFFFFF086  }
0x25: {  	[simem:s6], [sflag:s4] =	dma.local [hbm:s3], $0xF7A  }
0x26: {  	[smem:$0x3F99] =	sst s1;
	(tag) =	ssettag s2;
	_ =	strace s9  }
0x27: {  	s1 =	sld [smem:$0x3FA9]  }
0x28: {  	s2 =	sld [smem:$0x3FAA]  }
0x29: {  	s4 =	sld [smem:$0x3FAC]  }
0x2a: {  	p0 =	seq.s32 s5, $0x0;
	s5 =	sld [smem:$0x3FAD]  }
0x2b: {  	s6 =	sld [smem:$0x3FAE]  }
0x2c: {  	s7 =	sld [smem:$0x3FAF]  }
0x2d: {  	s3 =	simm.s32 $0x108;
	s8 =	sld [smem:$0x3FB0]  }
0x2e: {  	s3 =	simm.s32 @!p0 $0x1082;
	s9 =	sld [smem:$0x3FB1]  }
0x2f: {  	lr =	sadd.s32 s0, s3;
	s0 =	sld [smem:$0x3FA8]  }
0x30: {  	s3 =	sld [smem:$0x3FAB]  }
0x31: {  	[smem:$0x3FB4] =	sst s10  }
0x32: {  	s10 =	sld [smem:$0x3FB2];
	_ =	sdelay $0x3  }
0x33: {  	p0 =	seq.s32 s10, $0x1;
	s10 =	sld [smem:$0x3FB4];
	_ =	sdelay $0x3  }
0x34: {  	[smem:$0x3FB4] =	sst s10  }
0x35: {  	s10 =	sld [smem:$0x3FB3];
	_ =	sdelay $0x3  }
0x36: {  	p1 =	seq.s32 s10, $0x1;
	s10 =	sld [smem:$0x3FB4];
	_ =	sdelay $0x3  }
0x37: {  	[smem:$0x3FB4] =	sst s10  }
0x38: {  	s10 =	sld [smem:$0x3FB5]  }
0x39: {  	_ = 	snop;
	(pc) =	sbr.ind lr, $3  }
0x3a: {  	_ = 	snop  }
0x3b: {  	_ = 	snop  }
0x3c: {  	p2 =	seq.s32 s10, $0x1;
	s10 =	sld [smem:$0x3FB4]  }
0x3d: {  	_ =	shalt  }
0x3e: {  	_ =	shalt  }
0x3f: {  	_ =	shalt  }
0x40: {  	_ =	shalt  }
0x41: {  	_ =	shalt  }
0x42: {  	_ =	shalt  }
0x43: {  	_ =	shalt  }
0x44: {  	_ =	shalt  }
0x45: {  	_ =	shalt  }
0x46: {  	_ =	shalt  }
0x47: {  	_ =	shalt  }
0x48: {  	_ =	shalt  }
0x49: {  	_ =	shalt  }
0x4a: {  	_ =	shalt  }
0x4b: {  	_ =	shalt  }
0x4c: {  	_ =	shalt  }
0x4d: {  	_ =	shalt  }
0x4e: {  	_ =	shalt  }
0x4f: {  	_ =	shalt  }
0x50: {  	_ =	shalt  }
0x51: {  	_ =	shalt  }
0x52: {  	_ =	shalt  }
0x53: {  	_ =	shalt  }
0x54: {  	_ =	shalt  }
0x55: {  	_ =	shalt  }
0x56: {  	_ =	shalt  }
0x57: {  	_ =	shalt  }
0x58: {  	_ =	shalt  }
0x59: {  	_ =	shalt  }
0x5a: {  	_ =	shalt  }
0x5b: {  	_ =	shalt  }
0x5c: {  	_ =	shalt  }
0x5d: {  	_ =	shalt  }
0x5e: {  	_ =	shalt  }
0x5f: {  	_ =	shalt  }
0x60: {  	_ =	shalt  }
0x61: {  	_ =	shalt  }
0x62: {  	_ =	shalt  }
0x63: {  	_ =	shalt  }
0x64: {  	_ =	shalt  }
0x65: {  	_ =	shalt  }
0x66: {  	_ =	shalt  }
0x67: {  	_ =	shalt  }
0x68: {  	_ =	shalt  }
0x69: {  	_ =	shalt  }
0x6a: {  	_ =	shalt  }
0x6b: {  	_ =	shalt  }
0x6c: {  	_ =	shalt  }
0x6d: {  	_ =	shalt  }
0x6e: {  	_ =	shalt  }
0x6f: {  	_ =	shalt  }
0x70: {  	_ =	shalt  }
0x71: {  	_ =	shalt  }
0x72: {  	_ =	shalt  }
0x73: {  	_ =	shalt  }
0x74: {  	_ =	shalt  }
0x75: {  	_ =	shalt  }
0x76: {  	_ =	shalt  }
0x77: {  	_ =	shalt  }
0x78: {  	_ =	shalt  }
0x79: {  	_ =	shalt  }
0x7a: {  	_ =	shalt  }
0x7b: {  	_ =	shalt  }
0x7c: {  	_ =	shalt  }
0x7d: {  	_ =	shalt  }
0x7e: {  	_ =	shalt  }
0x7f: {  	_ =	shalt  }
0x80: {  	_ =	shalt  }
0x81: {  	_ =	shalt  }
0x82: {  	_ =	shalt  }
0x83: {  	_ =	shalt  }
0x84: {  	_ =	shalt  }
0x85: {  	_ =	shalt  }
0x86: {  	_ =	shalt  }
0x87: {  	_ =	shalt  }
.Lfunc_end0:
.L_simem_size_0:
called_computation.1_lowered:
.L_overlay_start_0:
0x88: {  	s2 =	sld [smem:$0x3FD9]  }
0x89: {  	s3 =	sld [smem:$0x3FFE];
	_ =	sdelay $0x1  }
0x8a: {  	s1 =	srdreg.scid  }
0x8b: {  	s0 =	sand.u32 $0x1, s1  }
0x8c: {  	s16 =	sshll.u32 s0, $0xA;
	s2 =	sadd.s32 s3, s2  }
0x8d: {  	s2 =	sadd.s32 s2, s16  }
0x8e: {  	[smem:$0x3FC0] =	sst s2  }
0x8f: {  	_ = 	snop  }
0x90: {  	(tm) =	ssettm $0x1  }
0x91: {  	s17 =	sld [smem:$0x3FFB];
	_ =	sdelay $0x3  }
0x92: {  	_ =	strace s17  }
0x93: {  	s2 =	sld [smem:$0x3FFC];
	_ =	sdelay $0x3  }
0x94: {  	_ =	strace s2  }
0x95: {  	s2 =	sld [smem:$0x3FFD];
	_ =	sdelay $0x3  }
0x96: {  	_ =	strace s2  }
0x97: {  	_ =	strace $0x8FFFFFFF  }
0x98: {  	s18 =	sld [smem:$0x3FDB];
	_ =	sdelay $0x1  }
0x99: {  	s19 =	simm.s32 $_scs_section_size  }
0x9a: {  	s4 =	simm.s32 $_size__tile_overlayer_lowered;
	s5 =	simm.s32 $_tile_overlayer_lowered  }
0x9b: {  	s22 =	simm.s32 $0x1BFF;
	s21 =	sshll.u32 s5, $0x1;
	s2 =	sadd.s32 s19, s18  }
0x9c: {  	s6 =	simm.s32 $0x0;
	s20 =	sshll.u32 s4, $0x1;
	s4 =	sadd.s32 s21, s2  }
0x9d: {  	[timem:s6], [sflag:s22] =	dma.local [hbm:s4], s20  }
0x9e: {  	_ =	swait.ge [sflag:s22], s20  }
0x9f: {  	s3 =	ssub.s32 $0x0, s20;
	[sflag:s22] =	ssyncset.done $0x0  }
0xa0: {  	[sflag:s22] =	ssyncadd.s32 s3;
	_ =	sdelay $0x1  }
0xa1: {  	s23 =	simm.s32 $0x1B8B  }
0xa2: {  	_ =	swait.ge [sflag:s23], $0x1  }
0xa3: {  	[sflag:s23] =	ssyncset.done $0x0  }
0xa4: {  	s25 =	simm.s32 $0x1B8E;
	s24 =	sld [smem:$0x3FFE];
	[sflag:s23] =	ssyncadd.s32 $0xFFFFFFFF  }
0xa5: {  	s26 =	simm.s32 $execute0_lowered;
	[smem:$0x3FD2] =	sst s25  }
0xa6: {  	s4 =	sshll.u32 s26, $0x1;
	_ =	strace $0x80000049;
	[dreg:$0x1] =	wrdreg $0xFFFFFFFF  }
0xa7: {  	s28 =	simm.s32 $_size_execute0_lowered;
	s2 =	sadd.s32 s2, s4;
	[dreg:$0x0] =	wrdreg $0x0  }
0xa8: {  	s4 =	sshll.u32 s28, $0x1;
	[dreg:$0x2] =	wrdreg s2  }
0xa9: {  	[dreg:$0x3] =	wrdreg s4  }
0xaa: {  	[dreg:$0x4] =	wrdreg $0xC0  }
0xab: {  	_ =	task [dreg:s6], $0x5FFFF  }
0xac: {  	[dreg:$0x1] =	wrdreg $0xFFFFFFFF  }
0xad: {  	[dreg:$0x0] =	wrdreg $0x60  }
0xae: {  	[dreg:$0x2] =	wrdreg s24  }
0xaf: {  	[dreg:$0x3] =	wrdreg $0x0  }
0xb0: {  	[dreg:$0x4] =	wrdreg $0x9  }
0xb1: {  	_ =	task.clear_ibuf [dreg:s6], $0x5FFFF;
	_ =	strace $0x90000049  }
0xb2: {  	s29 =	simm.s32 $0x9;
	_ =	strace $0x8000004B  }
0xb3: {  	_ =	swait.ge [sflag:s29], $0x1  }
0xb4: {  	[sflag:s29] =	ssyncadd.s32 $0xFFFFFFFF  }
0xb5: {  	_ =	strace $0x9000004B  }
0xb6: {  	_ =	sfence  }
0xb7: {  	s30 =	sld [smem:$0x0];
	_ =	sdelay $0x2  }
0xb8: {  	s31 =	sshll.u32 s1, $0xD;
	s1 =	sshrl.u32 s1, $0x2  }
0xb9: {  	s3 =	sand.u32 $0x4000, s31;
	s1 =	sadd.s32 s1, s30  }
0xba: {  	s0 =	sor.u32 s3, s0;
	s1 =	sshll.u32 s1, $0x11  }
0xbb: {  	s0 =	sor.u32 s1, s0  }
0xbc: {  	s0 =	sadd.s32 $0x8F2B, s0  }
0xbd: {  	[sflag:s0] =	ssyncadd.remote.s32 $0x1  }
0xbe: {  	_ =	sfence.sel $0xFFFF  }
0xbf: {  	[dreg:$0x0] =	wrdreg $0xFFFFFFFF;
	(pc) =	sbr.abs _section_cstart, $3  }
0xc0: {  	[dreg:$0x1] =	wrdreg $0xFFFFFFFF  }
0xc1: {  	_ =	task.clear_ibuf [dreg:s6], $0x2FFFF;
	_ =	strace $0x9FFFFFFF  }
0xc2: {  	(tm) =	ssettm $0x7FFFFFFF  }
0xc3: {  	_ =	shalt  }
tec
execute0_lowered:
.L_overlay_start_1:
0x0: {  	(tag) =	ssettag $0x1  }
0x1: {  	s0 =	srdreg.scid  }
0x2: {  	s15 =	stileid.u32;
	s3 =	rddreg [dreg:$0x0]  }
0x3: {  	s2 =	rddreg [dreg:$0x1];
	s6 =	simm.s32 $0x0;
	s12 =	simm.s32 $0x4F00  }
0x4: {  	s13 =	simm.s32 $0x5;
	s14 =	simm.s32 $0x7700;
	s17 =	simm.s32 $0x200  }
0x5: {  	s18 =	simm.s32 $0x9F00;
	s19 =	simm.s32 $0x1;
	s20 =	simm.s32 $0x5300  }
0x6: {  	s28 =	simm.s32 $0x7100;
	s29 =	simm.s32 $0x9700;
	s30 =	simm.s32 $0x7300  }
0x7: {  	s31 =	simm.s32 $0x9900;
	s0 =	sand.u32 $0x1, s0;
	s5 =	smul.u32 $0x4F00, s15  }
0x8: {  	[smem:$0x7FF] =	sst s6;
	s21 =	smul.u32 $0x9E0, s15;
	s24 =	sadd.s32 $0x1EF00, s3  }
0x9: {  	s26 =	sshll.u32 s15, $0x6;
	s1 =	sshll.u32 s0, $0x4;
	_ =	strace $0x8000004A  }
0xa: {  	s8 =	smul.u32 $0x9E00, s0;
	s0 =	ssub.s32 $0x2, s0;
	[dreg:$0x5] =	wrdreg s24  }
0xb: {  	s24 =	simm.s32 $0x6F00;
	s1 =	sor.u32 s15, s1;
	s9 =	sshrl.u32 s5, $0x3  }
0xc: {  	s22 =	sshrl.u32 s0, $0x1;
	s25 =	sadd.s32 s5, s2;
	s15 =	sor.u32 $0x1C05, s26  }
0xd: {  	s26 =	simm.s32 $0x4;
	s5 =	simm.s32 $0x0;
	s4 =	smul.u32 $0x2800, s1  }
0xe: {  	s9 =	sadd.s32 s9, s3;
	s6 =	sadd.s32 s21, s8;
	s0 =	ssub.s32 s0, s22  }
0xf: {  	p0 =	seq.s32 s1, $0x1F;
	s16 =	sshrl.u32 s25, $0x3;
	s8 =	simm.s32 $0x5100  }
0x10: {  	s21 =	simm.s32 $0xDF00;
	s22 =	simm.s32 $0x2;
	s25 =	simm.s32 $0x9500  }
0x11: {  	s1 =	simm.s32 $0x7500;
	s6 =	sadd.s32 s6, s3;
	s9 =	sadd.s32 $0x28E00, s9  }
.Ltmp0:
0x12: {  	s11 =	smax.u32 s0, $0x1;
	s4 =	sshrl.u32 s4, $0x3;
	(pc) =	sbr.rel .LBB2_1-.Ltmp0, $4  }
0x13: {  	s7 =	sadd.s32 s4, s3;
	s4 =	sadd.s32 $0x1A00, s3;
	s3 =	sadd.s32 $0x28B40, s3  }
0x14: {  	s0 =	simm.s32 $0x9B00;
	s23 =	sadd.s32 $0x15400, s7;
	[dreg:$0x6] =	wrdreg s3  }
0x15: {  	s10 =	sadd.s32 $0x32C00, s6;
	s7 =	sadd.s32 $0x1F040, s7;
	[dreg:$0x3] =	wrdreg s23  }
0x16: {  	v0 =	vlaneseq.u32;
	s3 =	simm.s32 $0x9D00;
	[dreg:$0x4] =	wrdreg s7;
	s23 =	simm.s32 $0x3  }
.LBB2_2:
0x17: {  	s7 =	rddreg [dreg:$0x3]  }
0x18: {  	[tilespmem:s12], [sflag:$0x5] =	stream.linear.gather [hbm4b:s7+s6], $0x2800, $0x38;
	[tilespmem:$0x11F00] =	vst v63  }
0x19: {  	_ =	swait.ge [sflag:s13], $0x2800  }
0x1a: {  	[sflag:s13] =	ssyncset.done $0x0  }
0x1b: {  	s7 =	rddreg [dreg:$0x4];
	[sflag:s13] =	ssyncadd.s32 $0xFFFFD800  }
0x1c: {  	[tilespmem:s14], [sflag:$0x5] =	stream.linear.gather [hbm4b:s7+s6], $0x2800, $0x38;
	[tilespmem:$0x11F00] =	vst v63  }
0x1d: {  	_ =	swait.ge [sflag:s13], $0x2800  }
0x1e: {  	[sflag:s13] =	ssyncset.done $0x0  }
0x1f: {  	[sflag:s13] =	ssyncadd.s32 $0xFFFFD800  }
.LBB2_6:
0x20: {  	[spmem:s16], [sflag:s15] =	dma.local [hbm:s9], $0x9E0  }
0x21: {  	_ =	swait.ge [sflag:s13], $0x9E0  }
0x22: {  	[sflag:s13] =	ssyncset.done $0x0  }
0x23: {  	[sflag:s13] =	ssyncadd.s32 $0xFFFFF620  }
0x24: {  	[tilespmem:s18], [sflag:$0x1] =	stream.indirect.gather [hbm4b:s4+s17], $0x20, s12, s17, $0xb8;
	[tilespmem:$0x11F00] =	vst v63  }
0x25: {  	[bflag:$0x0] =	sbarrier.arrive $0xFFFF  }
0x26: {  	_ =	swait.ge [sflag:s19], $0x4000  }
0x27: {  	[sflag:s19] =	ssyncset.done $0x0  }
0x28: {  	[sflag:s19] =	ssyncadd.s32 $0xFFFFC000  }
0x29: {  	[tilespmem:s21], [sflag:$0x2] =	stream.indirect.gather [hbm4b:s4+s17], $0x20, s8, s17, $0xb8;
	[tilespmem:$0x11F00] =	vst v63  }
0x2a: {  	_ = 	snop  }
0x2b: {  	[spmem:s2] =	stream.indirect.scatter.add.f32 [tilespmem:s18], [sflag:$0x3], $0x20, s14, s17, $0xb8;
	[tilespmem:$0x11F00] =	vst v63  }
0x2c: {  	_ =	swait.ge [sflag:s22], $0x4000  }
0x2d: {  	[sflag:s22] =	ssyncset.done $0x0  }
0x2e: {  	[sflag:s22] =	ssyncadd.s32 $0xFFFFC000  }
0x2f: {  	_ =	swait.ge [sflag:s23], $0x4000  }
0x30: {  	[sflag:s23] =	ssyncset.done $0x0  }
0x31: {  	[sflag:s23] =	ssyncadd.s32 $0xFFFFC000  }
0x32: {  	[tilespmem:s18], [sflag:$0x1] =	stream.indirect.gather [hbm4b:s4+s17], $0x20, s20, s17, $0xb8;
	[tilespmem:$0x11F00] =	vst v63  }
0x33: {  	s6 =	simm.s32 $0x7900  }
0x34: {  	[spmem:s2] =	stream.indirect.scatter.add.f32 [tilespmem:s21], [sflag:$0x4], $0x20, s6, s17, $0xb8;
	[tilespmem:$0x11F00] =	vst v63  }
0x35: {  	_ =	swait.ge [sflag:s19], $0x4000  }
0x36: {  	[sflag:s19] =	ssyncset.done $0x0  }
0x37: {  	[sflag:s19] =	ssyncadd.s32 $0xFFFFC000  }
0x38: {  	_ =	swait.ge [sflag:s26], $0x4000  }
0x39: {  	[sflag:s26] =	ssyncset.done $0x0  }
0x3a: {  	s7 =	simm.s32 $0x5500;
	[sflag:s26] =	ssyncadd.s32 $0xFFFFC000  }
0x3b: {  	[tilespmem:s21], [sflag:$0x2] =	stream.indirect.gather [hbm4b:s4+s17], $0x20, s7, s17, $0xb8;
	[tilespmem:$0x11F00] =	vst v63  }
0x3c: {  	s7 =	simm.s32 $0x7B00  }
0x3d: {  	[spmem:s2] =	stream.indirect.scatter.add.f32 [tilespmem:s18], [sflag:$0x3], $0x20, s7, s17, $0xb8;
	[tilespmem:$0x11F00] =	vst v63  }
0x3e: {  	_ =	swait.ge [sflag:s22], $0x4000  }
0x3f: {  	[sflag:s22] =	ssyncset.done $0x0  }
0x40: {  	[sflag:s22] =	ssyncadd.s32 $0xFFFFC000  }
0x41: {  	_ =	swait.ge [sflag:s23], $0x4000  }
0x42: {  	[sflag:s23] =	ssyncset.done $0x0  }
0x43: {  	s7 =	simm.s32 $0x5700;
	[sflag:s23] =	ssyncadd.s32 $0xFFFFC000  }
0x44: {  	[tilespmem:s18], [sflag:$0x1] =	stream.indirect.gather [hbm4b:s4+s17], $0x20, s7, s17, $0xb8;
	[tilespmem:$0x11F00] =	vst v63  }
0x45: {  	s7 =	simm.s32 $0x7D00  }
0x46: {  	[spmem:s2] =	stream.indirect.scatter.add.f32 [tilespmem:s21], [sflag:$0x4], $0x20, s7, s17, $0xb8;
	[tilespmem:$0x11F00] =	vst v63  }
0x47: {  	_ =	swait.ge [sflag:s19], $0x4000  }
0x48: {  	[sflag:s19] =	ssyncset.done $0x0  }
0x49: {  	[sflag:s19] =	ssyncadd.s32 $0xFFFFC000  }
0x4a: {  	_ =	swait.ge [sflag:s26], $0x4000  }
0x4b: {  	[sflag:s26] =	ssyncset.done $0x0  }
0x4c: {  	s7 =	simm.s32 $0x5900;
	[sflag:s26] =	ssyncadd.s32 $0xFFFFC000  }
0x4d: {  	[tilespmem:s21], [sflag:$0x2] =	stream.indirect.gather [hbm4b:s4+s17], $0x20, s7, s17, $0xb8;
	[tilespmem:$0x11F00] =	vst v63  }
0x4e: {  	s7 =	simm.s32 $0x7F00  }
0x4f: {  	[spmem:s2] =	stream.indirect.scatter.add.f32 [tilespmem:s18], [sflag:$0x3], $0x20, s7, s17, $0xb8;
	[tilespmem:$0x11F00] =	vst v63  }
0x50: {  	_ =	swait.ge [sflag:s22], $0x4000  }
0x51: {  	[sflag:s22] =	ssyncset.done $0x0  }
0x52: {  	[sflag:s22] =	ssyncadd.s32 $0xFFFFC000  }
0x53: {  	_ =	swait.ge [sflag:s23], $0x4000  }
0x54: {  	[sflag:s23] =	ssyncset.done $0x0  }
0x55: {  	s7 =	simm.s32 $0x5B00;
	[sflag:s23] =	ssyncadd.s32 $0xFFFFC000  }
0x56: {  	[tilespmem:s18], [sflag:$0x1] =	stream.indirect.gather [hbm4b:s4+s17], $0x20, s7, s17, $0xb8;
	[tilespmem:$0x11F00] =	vst v63  }
0x57: {  	s7 =	simm.s32 $0x8100  }
0x58: {  	[spmem:s2] =	stream.indirect.scatter.add.f32 [tilespmem:s21], [sflag:$0x4], $0x20, s7, s17, $0xb8;
	[tilespmem:$0x11F00] =	vst v63  }
0x59: {  	_ =	swait.ge [sflag:s19], $0x4000  }
0x5a: {  	[sflag:s19] =	ssyncset.done $0x0  }
0x5b: {  	[sflag:s19] =	ssyncadd.s32 $0xFFFFC000  }
0x5c: {  	_ =	swait.ge [sflag:s26], $0x4000  }
0x5d: {  	[sflag:s26] =	ssyncset.done $0x0  }
0x5e: {  	s7 =	simm.s32 $0x5D00;
	[sflag:s26] =	ssyncadd.s32 $0xFFFFC000  }
0x5f: {  	[tilespmem:s21], [sflag:$0x2] =	stream.indirect.gather [hbm4b:s4+s17], $0x20, s7, s17, $0xb8;
	[tilespmem:$0x11F00] =	vst v63  }
0x60: {  	s7 =	simm.s32 $0x8300  }
0x61: {  	[spmem:s2] =	stream.indirect.scatter.add.f32 [tilespmem:s18], [sflag:$0x3], $0x20, s7, s17, $0xb8;
	[tilespmem:$0x11F00] =	vst v63  }
0x62: {  	_ =	swait.ge [sflag:s22], $0x4000  }
0x63: {  	[sflag:s22] =	ssyncset.done $0x0  }
0x64: {  	[sflag:s22] =	ssyncadd.s32 $0xFFFFC000  }
0x65: {  	_ =	swait.ge [sflag:s23], $0x4000  }
0x66: {  	[sflag:s23] =	ssyncset.done $0x0  }
0x67: {  	s7 =	simm.s32 $0x5F00;
	[sflag:s23] =	ssyncadd.s32 $0xFFFFC000  }
0x68: {  	[tilespmem:s18], [sflag:$0x1] =	stream.indirect.gather [hbm4b:s4+s17], $0x20, s7, s17, $0xb8;
	[tilespmem:$0x11F00] =	vst v63  }
0x69: {  	s7 =	simm.s32 $0x8500  }
0x6a: {  	[spmem:s2] =	stream.indirect.scatter.add.f32 [tilespmem:s21], [sflag:$0x4], $0x20, s7, s17, $0xb8;
	[tilespmem:$0x11F00] =	vst v63  }
0x6b: {  	_ =	swait.ge [sflag:s19], $0x4000  }
0x6c: {  	[sflag:s19] =	ssyncset.done $0x0  }
0x6d: {  	[sflag:s19] =	ssyncadd.s32 $0xFFFFC000  }
0x6e: {  	_ =	swait.ge [sflag:s26], $0x4000  }
0x6f: {  	[sflag:s26] =	ssyncset.done $0x0  }
0x70: {  	s7 =	simm.s32 $0x6100;
	[sflag:s26] =	ssyncadd.s32 $0xFFFFC000  }
0x71: {  	[tilespmem:s21], [sflag:$0x2] =	stream.indirect.gather [hbm4b:s4+s17], $0x20, s7, s17, $0xb8;
	[tilespmem:$0x11F00] =	vst v63  }
0x72: {  	s7 =	simm.s32 $0x8700  }
0x73: {  	[spmem:s2] =	stream.indirect.scatter.add.f32 [tilespmem:s18], [sflag:$0x3], $0x20, s7, s17, $0xb8;
	[tilespmem:$0x11F00] =	vst v63  }
0x74: {  	_ =	swait.ge [sflag:s22], $0x4000  }
0x75: {  	[sflag:s22] =	ssyncset.done $0x0  }
0x76: {  	[sflag:s22] =	ssyncadd.s32 $0xFFFFC000  }
0x77: {  	_ =	swait.ge [sflag:s23], $0x4000  }
0x78: {  	[sflag:s23] =	ssyncset.done $0x0  }
0x79: {  	s7 =	simm.s32 $0x6300;
	[sflag:s23] =	ssyncadd.s32 $0xFFFFC000  }
0x7a: {  	[tilespmem:s18], [sflag:$0x1] =	stream.indirect.gather [hbm4b:s4+s17], $0x20, s7, s17, $0xb8;
	[tilespmem:$0x11F00] =	vst v63  }
0x7b: {  	s7 =	simm.s32 $0x8900  }
0x7c: {  	[spmem:s2] =	stream.indirect.scatter.add.f32 [tilespmem:s21], [sflag:$0x4], $0x20, s7, s17, $0xb8;
	[tilespmem:$0x11F00] =	vst v63  }
0x7d: {  	_ =	swait.ge [sflag:s19], $0x4000  }
0x7e: {  	[sflag:s19] =	ssyncset.done $0x0  }
0x7f: {  	[sflag:s19] =	ssyncadd.s32 $0xFFFFC000  }
0x80: {  	_ =	swait.ge [sflag:s26], $0x4000  }
0x81: {  	[sflag:s26] =	ssyncset.done $0x0  }
0x82: {  	s7 =	simm.s32 $0x6500;
	[sflag:s26] =	ssyncadd.s32 $0xFFFFC000  }
0x83: {  	[tilespmem:s21], [sflag:$0x2] =	stream.indirect.gather [hbm4b:s4+s17], $0x20, s7, s17, $0xb8;
	[tilespmem:$0x11F00] =	vst v63  }
0x84: {  	s7 =	simm.s32 $0x8B00  }
0x85: {  	[spmem:s2] =	stream.indirect.scatter.add.f32 [tilespmem:s18], [sflag:$0x3], $0x20, s7, s17, $0xb8;
	[tilespmem:$0x11F00] =	vst v63  }
0x86: {  	_ =	swait.ge [sflag:s22], $0x4000  }
0x87: {  	[sflag:s22] =	ssyncset.done $0x0  }
0x88: {  	[sflag:s22] =	ssyncadd.s32 $0xFFFFC000  }
0x89: {  	_ =	swait.ge [sflag:s23], $0x4000  }
0x8a: {  	[sflag:s23] =	ssyncset.done $0x0  }
0x8b: {  	s7 =	simm.s32 $0x6700;
	[sflag:s23] =	ssyncadd.s32 $0xFFFFC000  }
0x8c: {  	[tilespmem:s18], [sflag:$0x1] =	stream.indirect.gather [hbm4b:s4+s17], $0x20, s7, s17, $0xb8;
	[tilespmem:$0x11F00] =	vst v63  }
0x8d: {  	s7 =	simm.s32 $0x8D00  }
0x8e: {  	[spmem:s2] =	stream.indirect.scatter.add.f32 [tilespmem:s21], [sflag:$0x4], $0x20, s7, s17, $0xb8;
	[tilespmem:$0x11F00] =	vst v63  }
0x8f: {  	_ =	swait.ge [sflag:s19], $0x4000  }
0x90: {  	[sflag:s19] =	ssyncset.done $0x0  }
0x91: {  	[sflag:s19] =	ssyncadd.s32 $0xFFFFC000  }
0x92: {  	_ =	swait.ge [sflag:s26], $0x4000  }
0x93: {  	[sflag:s26] =	ssyncset.done $0x0  }
0x94: {  	s7 =	simm.s32 $0x6900;
	[sflag:s26] =	ssyncadd.s32 $0xFFFFC000  }
0x95: {  	[tilespmem:s21], [sflag:$0x2] =	stream.indirect.gather [hbm4b:s4+s17], $0x20, s7, s17, $0xb8;
	[tilespmem:$0x11F00] =	vst v63  }
0x96: {  	s7 =	simm.s32 $0x8F00  }
0x97: {  	[spmem:s2] =	stream.indirect.scatter.add.f32 [tilespmem:s18], [sflag:$0x3], $0x20, s7, s17, $0xb8;
	[tilespmem:$0x11F00] =	vst v63  }
0x98: {  	_ =	swait.ge [sflag:s22], $0x4000  }
0x99: {  	[sflag:s22] =	ssyncset.done $0x0  }
0x9a: {  	[sflag:s22] =	ssyncadd.s32 $0xFFFFC000  }
0x9b: {  	_ =	swait.ge [sflag:s23], $0x4000  }
0x9c: {  	[sflag:s23] =	ssyncset.done $0x0  }
0x9d: {  	s7 =	simm.s32 $0x6B00;
	[sflag:s23] =	ssyncadd.s32 $0xFFFFC000  }
0x9e: {  	[tilespmem:s18], [sflag:$0x1] =	stream.indirect.gather [hbm4b:s4+s17], $0x20, s7, s17, $0xb8;
	[tilespmem:$0x11F00] =	vst v63  }
0x9f: {  	s7 =	simm.s32 $0x9100  }
0xa0: {  	[spmem:s2] =	stream.indirect.scatter.add.f32 [tilespmem:s21], [sflag:$0x4], $0x20, s7, s17, $0xb8;
	[tilespmem:$0x11F00] =	vst v63  }
0xa1: {  	_ =	swait.ge [sflag:s19], $0x4000  }
0xa2: {  	[sflag:s19] =	ssyncset.done $0x0  }
0xa3: {  	[sflag:s19] =	ssyncadd.s32 $0xFFFFC000  }
0xa4: {  	_ =	swait.ge [sflag:s26], $0x4000  }
0xa5: {  	[sflag:s26] =	ssyncset.done $0x0  }
0xa6: {  	s7 =	simm.s32 $0x6D00;
	[sflag:s26] =	ssyncadd.s32 $0xFFFFC000  }
0xa7: {  	[tilespmem:s21], [sflag:$0x2] =	stream.indirect.gather [hbm4b:s4+s17], $0x20, s7, s17, $0xb8;
	[tilespmem:$0x11F00] =	vst v63  }
0xa8: {  	s7 =	simm.s32 $0x9300  }
0xa9: {  	[spmem:s2] =	stream.indirect.scatter.add.f32 [tilespmem:s18], [sflag:$0x3], $0x20, s7, s17, $0xb8;
	[tilespmem:$0x11F00] =	vst v63  }
0xaa: {  	_ =	swait.ge [sflag:s22], $0x4000  }
0xab: {  	[sflag:s22] =	ssyncset.done $0x0  }
0xac: {  	[sflag:s22] =	ssyncadd.s32 $0xFFFFC000  }
0xad: {  	_ =	swait.ge [sflag:s23], $0x4000  }
0xae: {  	[sflag:s23] =	ssyncset.done $0x0  }
0xaf: {  	[sflag:s23] =	ssyncadd.s32 $0xFFFFC000  }
0xb0: {  	[tilespmem:s18], [sflag:$0x1] =	stream.indirect.gather [hbm4b:s4+s17], $0x20, s24, s17, $0xb8;
	[tilespmem:$0x11F00] =	vst v63  }
0xb1: {  	_ = 	snop  }
0xb2: {  	[spmem:s2] =	stream.indirect.scatter.add.f32 [tilespmem:s21], [sflag:$0x4], $0x20, s25, s17, $0xb8;
	[tilespmem:$0x11F00] =	vst v63  }
0xb3: {  	_ =	swait.ge [sflag:s19], $0x4000  }
0xb4: {  	[sflag:s19] =	ssyncset.done $0x0  }
0xb5: {  	[sflag:s19] =	ssyncadd.s32 $0xFFFFC000  }
0xb6: {  	_ =	swait.ge [sflag:s26], $0x4000  }
0xb7: {  	[sflag:s26] =	ssyncset.done $0x0  }
0xb8: {  	[sflag:s26] =	ssyncadd.s32 $0xFFFFC000  }
0xb9: {  	[tilespmem:s21], [sflag:$0x2] =	stream.indirect.gather [hbm4b:s4+s17], $0x20, s28, s17, $0xb8;
	[tilespmem:$0x11F00] =	vst v63  }
0xba: {  	_ = 	snop  }
0xbb: {  	[spmem:s2] =	stream.indirect.scatter.add.f32 [tilespmem:s18], [sflag:$0x3], $0x20, s29, s17, $0xb8;
	[tilespmem:$0x11F00] =	vst v63  }
0xbc: {  	_ =	swait.ge [sflag:s22], $0x4000  }
0xbd: {  	[sflag:s22] =	ssyncset.done $0x0  }
0xbe: {  	[sflag:s22] =	ssyncadd.s32 $0xFFFFC000  }
0xbf: {  	_ =	swait.ge [sflag:s23], $0x4000  }
0xc0: {  	[sflag:s23] =	ssyncset.done $0x0  }
0xc1: {  	[sflag:s23] =	ssyncadd.s32 $0xFFFFC000  }
0xc2: {  	[tilespmem:s18], [sflag:$0x1] =	stream.indirect.gather [hbm4b:s4+s17], $0x20, s30, s17, $0xb8;
	[tilespmem:$0x11F00] =	vst v63  }
0xc3: {  	_ = 	snop  }
0xc4: {  	[spmem:s2] =	stream.indirect.scatter.add.f32 [tilespmem:s21], [sflag:$0x4], $0x20, s31, s17, $0xb8;
	[tilespmem:$0x11F00] =	vst v63  }
0xc5: {  	_ =	swait.ge [sflag:s19], $0x4000  }
0xc6: {  	[sflag:s19] =	ssyncset.done $0x0  }
0xc7: {  	[sflag:s19] =	ssyncadd.s32 $0xFFFFC000  }
0xc8: {  	_ =	swait.ge [sflag:s26], $0x4000  }
0xc9: {  	[sflag:s26] =	ssyncset.done $0x0  }
0xca: {  	[sflag:s26] =	ssyncadd.s32 $0xFFFFC000  }
0xcb: {  	[tilespmem:s21], [sflag:$0x2] =	stream.indirect.gather [hbm4b:s4+s17], $0x20, s1, s17, $0xb8;
	[tilespmem:$0x11F00] =	vst v63  }
0xcc: {  	_ = 	snop  }
0xcd: {  	[spmem:s2] =	stream.indirect.scatter.add.f32 [tilespmem:s18], [sflag:$0x3], $0x20, s0, s17, $0xb8;
	[tilespmem:$0x11F00] =	vst v63  }
0xce: {  	_ =	swait.ge [sflag:s22], $0x4000  }
0xcf: {  	[sflag:s22] =	ssyncset.done $0x0  }
0xd0: {  	[sflag:s22] =	ssyncadd.s32 $0xFFFFC000  }
0xd1: {  	_ =	swait.ge [sflag:s23], $0x4000  }
0xd2: {  	[sflag:s23] =	ssyncset.done $0x0  }
0xd3: {  	[sflag:s23] =	ssyncadd.s32 $0xFFFFC000  }
0xd4: {  	[spmem:s2] =	stream.indirect.scatter.add.f32 [tilespmem:s21], [sflag:$0x4], $0x20, s3, s17, $0xb8;
	[tilespmem:$0x11F00] =	vst v63  }
0xd5: {  	_ =	swait.ge [sflag:s26], $0x4000  }
0xd6: {  	s5 =	sadd.s32 $0x1, s5;
	[sflag:s26] =	ssyncset.done $0x0  }
0xd7: {  	p1 =	sne.s32 s5, s11;
	[sflag:s26] =	ssyncadd.s32 $0xFFFFC000  }
.Ltmp1:
0xd8: {  	[bflag:$0x0] =	sbarrier.arrive $0xFFFF;
	(pc) =	sbr.rel @!p1 .LBB2_7-.Ltmp1, $4  }
0xd9: {  	[hbm:s10], [sflag:s15] =	dma.local [spmem:s16], $0x9E0  }
0xda: {  	_ =	swait.ge [sflag:s13], $0x9E0  }
0xdb: {  	[sflag:s13] =	ssyncset.done $0x0  }
0xdc: {  	[sflag:s13] =	ssyncadd.s32 $0xFFFFF620  }
.LBB2_1:
.Ltmp2:
0xdd: {  	(pc) =	sbr.rel @!p0 .LBB2_2-.Ltmp2, $2  }
0xde: {  	_ =	sdelay $0x2  }
0xdf: {  	s6 =	simm.s32 $0x0  }
0xe0: {  	s7 =	rddreg [dreg:$0x5]  }
0xe1: {  	[tilespmem:s12], [sflag:$0x5] =	stream.linear.gather [hbm4b:s7+s6], $0xA00, $0x38;
	[tilespmem:$0x11F00] =	vst v63  }
0xe2: {  	_ =	swait.ge [sflag:s13], $0xA00  }
0xe3: {  	v1 =	vmov s6;
	[sflag:s13] =	ssyncset.done $0x0  }
0xe4: {  	v1 =	vshrl.u32 v1, $0x4;
	s20 =	rddreg [dreg:$0x6];
	[sflag:s13] =	ssyncadd.s32 $0xFFFFF600  }
0xe5: {  	v1 =	vmulhi.u32 $0x24924925, v1;
	[tilespmem:s14], [sflag:$0x5] =	stream.linear.gather [hbm4b:s20+s6], $0xA00, $0x38;
	[tilespmem:$0x11F00] =	vst v63  }
0xe6: {  	_ =	swait.ge [sflag:s13], $0xA00  }
0xe7: {  	v2 =	vmul.u32 $0x70, v1;
	[sflag:s13] =	ssyncset.done $0x0  }
0xe8: {  	s7 =	simm.s32 $0x10;
	v1 =	vor.u32 s6, v0;
	[sflag:s13] =	ssyncadd.s32 $0xFFFFF600  }
.LBB2_4:
0xe9: {  	v3 =	vmov s7;
	p1 =	sne.s32 s7, $0x1DF0;
	v2 =	vsub.s32 v1, v2;
	s8 =	smov.u32 s7;
	s7 =	sadd.s32 $0x10, s7  }
.Ltmp3:
0xea: {  	s20 =	sand.u32 $0x1FF0, s6;
	v3 =	vshrl.u32 v3, $0x4;
	v2 =	vadd.s32 $0x2710, v2;
	s6 =	smov.u32 s8;
	(pc) =	sbr.rel @p1 .LBB2_4-.Ltmp3, $4  }
0xeb: {  	v3 =	vmulhi.u32 $0x24924925, v3;
	[tilespmem:s20+$0x8100] =	vst v2  }
0xec: {  	[tilespmem:s20+$0x5900] =	vst v1  }
0xed: {  	v2 =	vmul.u32 $0x70, v3  }
0xee: {  	v1 =	vor.u32 s6, v0  }
.Ltmp4:
0xef: {  	(pc) =	sbr.rel .LBB2_6-.Ltmp4, $4  }
0xf0: {  	_ = 	snop  }
0xf1: {  	v2 =	vsub.s32 v1, v2;
	s6 =	sand.u32 $0x1FF0, s6  }
0xf2: {  	v2 =	vadd.s32 $0x2710, v2;
	[tilespmem:s6+$0x5900] =	vst v1  }
0xf3: {  	s8 =	simm.s32 $0x5100;
	s20 =	simm.s32 $0x5300;
	[tilespmem:s6+$0x8100] =	vst v2  }
.LBB2_7:
0xf4: {  	_ =	sfence.sel $0x180000  }
0xf5: {  	[bflag:$0x0] =	sbarrier.arrive $0xFFFF  }
0xf6: {  	_ =	strace $0x9000004A  }
0xf7: {  	s0 =	stileid.u32;
	[bflag:$0x2] =	sbarrier.arrive $0xFFFF  }
0xf8: {  	p0 =	sne.s32 s0, $0x0;
	s0 =	rddreg [dreg:$0x2]  }
0xf9: {  	s0 =	sadd.s32 @!p0 $0x100000, s0  }
0xfa: {  	[sflag:s0] =	ssyncadd.tile.s32 @!p0 $0x1;
	_ =	shalt  }
.Lfunc_end2:
_tile_overlayer_lowered:
.L_overlay_start_2:
0xfb: {  	(tag) =	ssettag $0x2  }
0xfc: {  	s0 =	rddreg [dreg:$0x0];
	s2 =	stileid.u32  }
0xfd: {  	s1 =	rddreg [dreg:$0x1];
	p0 =	sne.s32 s2, $0x0  }
0xfe: {  	s3 =	rddreg [dreg:$0x2];
	[bflag:$0x3] =	sbarrier.arrive $0xFFFF;
	s2 =	simm.s32 @!p0 $0x1C05  }
0xff: {  	[timem:s3], [sflag:s2] =	dma.local @!p0 [hbm:s0], s1  }
0x100: {  	s0 =	simm.s32 @!p0 $0x5  }
0x101: {  	_ =	swait.ge @!p0 [sflag:s0], s1  }
0x102: {  	s1 =	ssub.s32 @!p0 $0x0, s1;
	[sflag:s0] =	ssyncset.done @!p0 $0x0  }
0x103: {  	[sflag:s0] =	ssyncadd.s32 @!p0 s1  }
0x104: {  	[bflag:$0x3] =	sbarrier.arrive $0xFFFF  }
0x105: {  	_ =	shalt  }

// kernel: kernel.7.cloned.1.call-start
scs
__scs_entry_jumppad:
0x0: {  	(pc) =	sbr.rel $0x88, $3  }
0x1: {  	(tag) =	ssettag $0x0;
	lr =	simm.s32 $0x1  }
0x2: {  	[smem:$0x3F99] =	sst lr;
	_ =	strace $0xD0000000  }
0x3: {  	_ = 	snop  }
0x4: {  	_ = 	snop  }
0x5: {  	_ = 	snop  }
0x6: {  	_ = 	snop  }
0x7: {  	_ = 	snop  }
__scs_overlays_trampoline_lowered:
0x8: {  	[smem:$0x3FA8] =	sst s0  }
0x9: {  	[smem:$0x3FA9] =	sst s1  }
0xa: {  	[smem:$0x3FAA] =	sst s2  }
0xb: {  	[smem:$0x3FAB] =	sst s3  }
0xc: {  	[smem:$0x3FAC] =	sst s4  }
0xd: {  	[smem:$0x3FAD] =	sst s5  }
0xe: {  	[smem:$0x3FAE] =	sst s6  }
0xf: {  	[smem:$0x3FAF] =	sst s7  }
0x10: {  	[smem:$0x3FB0] =	sst s8  }
0x11: {  	[smem:$0x3FB1] =	sst s9;
	s0 =	simm.s32 @!p0 $0x0  }
0x12: {  	s1 =	sld [smem:$0x3F97];
	s0 =	simm.s32 @p0 $0x1  }
0x13: {  	[smem:$0x3FB2] =	sst s0;
	s0 =	simm.s32 @!p1 $0x0  }
0x14: {  	s2 =	sld [smem:$0x3F96];
	s0 =	simm.s32 @p1 $0x1  }
0x15: {  	[smem:$0x3FB3] =	sst s0;
	s0 =	simm.s32 @!p2 $0x0  }
0x16: {  	s3 =	sld [smem:$0x3FDB];
	s0 =	simm.s32 @p2 $0x1  }
0x17: {  	s4 =	simm.s32 $0x1BF5;
	[smem:$0x3FB5] =	sst s0  }
0x18: {  	s0 =	sld [smem:$0x3F98];
	_ =	swait.ge [sflag:s4], $0x0  }
0x19: {  	s7 =	sld [smem:$0x3F99]  }
0x1a: {  	s8 =	sadd.s32 $0xFFFFE003, lr  }
0x1b: {  	s9 =	sadd.s32 $0xFFFFFEF7, lr;
	s5 =	simm.s32 $0xFFFFFFFF;
	p2 =	slt.u32 s8, $0xFFFFF086  }
0x1c: {  	p1 =	slt.u32 s9, $0xF7A;
	s5 =	simm.s32 @!p2 $0x0  }
0x1d: {  	s5 =	simm.s32 @p1 $0x1;
	p0 =	seq.s32 s7, s2  }
0x1e: {  	s7 =	smul.u32 @!p0 $0xF7A, s2;
	p2 =	seq.s32 @!p0 s5, $0x0  }
0x1f: {  	s9 =	smul.u32 $0xF7A, s1;
	s8 =	simm.s32 @!p0 $0x1BF5;
	p2 =	por !p2, p0  }
0x20: {  	[sflag:s8] =	ssyncset.s32 @!p0 $0xFFFFF086;
	s6 =	sadd.s32 @!p0 s3, s7;
	s7 =	simm.s32 @!p0 $0x108  }
0x21: {  	s3 =	sadd.s32 s3, s9;
	s6 =	sadd.s32 @!p0 $0x88, s6;
	s7 =	simm.s32 @p2 $0x1082  }
0x22: {  	[simem:s7], [sflag:s8] =	dma.local @!p0 [hbm:s6], $0xF7A  }
0x23: {  	s9 =	sor.u32 $0xD0000000, s2;
	s6 =	simm.s32 $0x108;
	_ =	swait.ge @!p0 [sflag:s8], $0x0  }
0x24: {  	s3 =	sadd.s32 $0x88, s3;
	s6 =	simm.s32 @!p1 $0x1082;
	[sflag:s4] =	ssyncset.s32 $0xFFFFF086  }
0x25: {  	[simem:s6], [sflag:s4] =	dma.local [hbm:s3], $0xF7A  }
0x26: {  	[smem:$0x3F99] =	sst s1;
	(tag) =	ssettag s2;
	_ =	strace s9  }
0x27: {  	s1 =	sld [smem:$0x3FA9]  }
0x28: {  	s2 =	sld [smem:$0x3FAA]  }
0x29: {  	s4 =	sld [smem:$0x3FAC]  }
0x2a: {  	p0 =	seq.s32 s5, $0x0;
	s5 =	sld [smem:$0x3FAD]  }
0x2b: {  	s6 =	sld [smem:$0x3FAE]  }
0x2c: {  	s7 =	sld [smem:$0x3FAF]  }
0x2d: {  	s3 =	simm.s32 $0x108;
	s8 =	sld [smem:$0x3FB0]  }
0x2e: {  	s3 =	simm.s32 @!p0 $0x1082;
	s9 =	sld [smem:$0x3FB1]  }
0x2f: {  	lr =	sadd.s32 s0, s3;
	s0 =	sld [smem:$0x3FA8]  }
0x30: {  	s3 =	sld [smem:$0x3FAB]  }
0x31: {  	[smem:$0x3FB4] =	sst s10  }
0x32: {  	s10 =	sld [smem:$0x3FB2];
	_ =	sdelay $0x3  }
0x33: {  	p0 =	seq.s32 s10, $0x1;
	s10 =	sld [smem:$0x3FB4];
	_ =	sdelay $0x3  }
0x34: {  	[smem:$0x3FB4] =	sst s10  }
0x35: {  	s10 =	sld [smem:$0x3FB3];
	_ =	sdelay $0x3  }
0x36: {  	p1 =	seq.s32 s10, $0x1;
	s10 =	sld [smem:$0x3FB4];
	_ =	sdelay $0x3  }
0x37: {  	[smem:$0x3FB4] =	sst s10  }
0x38: {  	s10 =	sld [smem:$0x3FB5]  }
0x39: {  	_ = 	snop;
	(pc) =	sbr.ind lr, $3  }
0x3a: {  	_ = 	snop  }
0x3b: {  	_ = 	snop  }
0x3c: {  	p2 =	seq.s32 s10, $0x1;
	s10 =	sld [smem:$0x3FB4]  }
0x3d: {  	_ =	shalt  }
0x3e: {  	_ =	shalt  }
0x3f: {  	_ =	shalt  }
0x40: {  	_ =	shalt  }
0x41: {  	_ =	shalt  }
0x42: {  	_ =	shalt  }
0x43: {  	_ =	shalt  }
0x44: {  	_ =	shalt  }
0x45: {  	_ =	shalt  }
0x46: {  	_ =	shalt  }
0x47: {  	_ =	shalt  }
0x48: {  	_ =	shalt  }
0x49: {  	_ =	shalt  }
0x4a: {  	_ =	shalt  }
0x4b: {  	_ =	shalt  }
0x4c: {  	_ =	shalt  }
0x4d: {  	_ =	shalt  }
0x4e: {  	_ =	shalt  }
0x4f: {  	_ =	shalt  }
0x50: {  	_ =	shalt  }
0x51: {  	_ =	shalt  }
0x52: {  	_ =	shalt  }
0x53: {  	_ =	shalt  }
0x54: {  	_ =	shalt  }
0x55: {  	_ =	shalt  }
0x56: {  	_ =	shalt  }
0x57: {  	_ =	shalt  }
0x58: {  	_ =	shalt  }
0x59: {  	_ =	shalt  }
0x5a: {  	_ =	shalt  }
0x5b: {  	_ =	shalt  }
0x5c: {  	_ =	shalt  }
0x5d: {  	_ =	shalt  }
0x5e: {  	_ =	shalt  }
0x5f: {  	_ =	shalt  }
0x60: {  	_ =	shalt  }
0x61: {  	_ =	shalt  }
0x62: {  	_ =	shalt  }
0x63: {  	_ =	shalt  }
0x64: {  	_ =	shalt  }
0x65: {  	_ =	shalt  }
0x66: {  	_ =	shalt  }
0x67: {  	_ =	shalt  }
0x68: {  	_ =	shalt  }
0x69: {  	_ =	shalt  }
0x6a: {  	_ =	shalt  }
0x6b: {  	_ =	shalt  }
0x6c: {  	_ =	shalt  }
0x6d: {  	_ =	shalt  }
0x6e: {  	_ =	shalt  }
0x6f: {  	_ =	shalt  }
0x70: {  	_ =	shalt  }
0x71: {  	_ =	shalt  }
0x72: {  	_ =	shalt  }
0x73: {  	_ =	shalt  }
0x74: {  	_ =	shalt  }
0x75: {  	_ =	shalt  }
0x76: {  	_ =	shalt  }
0x77: {  	_ =	shalt  }
0x78: {  	_ =	shalt  }
0x79: {  	_ =	shalt  }
0x7a: {  	_ =	shalt  }
0x7b: {  	_ =	shalt  }
0x7c: {  	_ =	shalt  }
0x7d: {  	_ =	shalt  }
0x7e: {  	_ =	shalt  }
0x7f: {  	_ =	shalt  }
0x80: {  	_ =	shalt  }
0x81: {  	_ =	shalt  }
0x82: {  	_ =	shalt  }
0x83: {  	_ =	shalt  }
0x84: {  	_ =	shalt  }
0x85: {  	_ =	shalt  }
0x86: {  	_ =	shalt  }
0x87: {  	_ =	shalt  }
.Lfunc_end0:
.L_simem_size_0:
called_computation_lowered:
.L_overlay_start_0:
0x88: {  	s2 =	sld [smem:$0x3FD9]  }
0x89: {  	s3 =	sld [smem:$0x3FFE];
	_ =	sdelay $0x1  }
0x8a: {  	s1 =	srdreg.scid  }
0x8b: {  	s0 =	sand.u32 $0x1, s1  }
0x8c: {  	s16 =	sshll.u32 s0, $0xA;
	s2 =	sadd.s32 s3, s2  }
0x8d: {  	s2 =	sadd.s32 s2, s16  }
0x8e: {  	[smem:$0x3FC0] =	sst s2  }
0x8f: {  	_ = 	snop  }
0x90: {  	(tm) =	ssettm $0x1  }
0x91: {  	s17 =	sld [smem:$0x3FFB];
	_ =	sdelay $0x3  }
0x92: {  	_ =	strace s17  }
0x93: {  	s2 =	sld [smem:$0x3FFC];
	_ =	sdelay $0x3  }
0x94: {  	_ =	strace s2  }
0x95: {  	s2 =	sld [smem:$0x3FFD];
	_ =	sdelay $0x3  }
0x96: {  	_ =	strace s2  }
0x97: {  	_ =	strace $0x8FFFFFFF  }
0x98: {  	s18 =	sld [smem:$0x3FDB];
	_ =	sdelay $0x1  }
0x99: {  	s19 =	simm.s32 $_scs_section_size  }
0x9a: {  	s4 =	simm.s32 $_size__tile_overlayer_lowered;
	s5 =	simm.s32 $_tile_overlayer_lowered  }
0x9b: {  	s22 =	simm.s32 $0x1BFF;
	s21 =	sshll.u32 s5, $0x1;
	s2 =	sadd.s32 s19, s18  }
0x9c: {  	s6 =	simm.s32 $0x0;
	s20 =	sshll.u32 s4, $0x1;
	s4 =	sadd.s32 s21, s2  }
0x9d: {  	[timem:s6], [sflag:s22] =	dma.local [hbm:s4], s20  }
0x9e: {  	_ =	swait.ge [sflag:s22], s20  }
0x9f: {  	s3 =	ssub.s32 $0x0, s20;
	[sflag:s22] =	ssyncset.done $0x0  }
0xa0: {  	[sflag:s22] =	ssyncadd.s32 s3;
	_ =	sdelay $0x1  }
0xa1: {  	s23 =	simm.s32 $0x1B8B  }
0xa2: {  	_ =	swait.ge [sflag:s23], $0x1  }
0xa3: {  	[sflag:s23] =	ssyncset.done $0x0  }
0xa4: {  	s25 =	simm.s32 $0x1B8E;
	s24 =	sld [smem:$0x3FFE];
	[sflag:s23] =	ssyncadd.s32 $0xFFFFFFFF  }
0xa5: {  	s26 =	simm.s32 $execute0_lowered;
	[smem:$0x3FD2] =	sst s25  }
0xa6: {  	s4 =	sshll.u32 s26, $0x1;
	_ =	strace $0x80000046;
	[dreg:$0x1] =	wrdreg $0xFFFFFFFF  }
0xa7: {  	s28 =	simm.s32 $_size_execute0_lowered;
	s2 =	sadd.s32 s2, s4;
	[dreg:$0x0] =	wrdreg $0x0  }
0xa8: {  	s4 =	sshll.u32 s28, $0x1;
	[dreg:$0x2] =	wrdreg s2  }
0xa9: {  	[dreg:$0x3] =	wrdreg s4  }
0xaa: {  	[dreg:$0x4] =	wrdreg $0xC0  }
0xab: {  	_ =	task [dreg:s6], $0x5FFFF  }
0xac: {  	[dreg:$0x1] =	wrdreg $0xFFFFFFFF  }
0xad: {  	[dreg:$0x0] =	wrdreg $0x60  }
0xae: {  	[dreg:$0x2] =	wrdreg s24  }
0xaf: {  	[dreg:$0x3] =	wrdreg $0x0  }
0xb0: {  	[dreg:$0x4] =	wrdreg $0x9  }
0xb1: {  	_ =	task.clear_ibuf [dreg:s6], $0x5FFFF;
	_ =	strace $0x90000046  }
0xb2: {  	s29 =	simm.s32 $0x9;
	_ =	strace $0x80000048  }
0xb3: {  	_ =	swait.ge [sflag:s29], $0x1  }
0xb4: {  	[sflag:s29] =	ssyncadd.s32 $0xFFFFFFFF  }
0xb5: {  	_ =	strace $0x90000048  }
0xb6: {  	_ =	sfence  }
0xb7: {  	s30 =	sld [smem:$0x0];
	_ =	sdelay $0x2  }
0xb8: {  	s31 =	sshll.u32 s1, $0xD;
	s1 =	sshrl.u32 s1, $0x2  }
0xb9: {  	s3 =	sand.u32 $0x4000, s31;
	s1 =	sadd.s32 s1, s30  }
0xba: {  	s0 =	sor.u32 s3, s0;
	s1 =	sshll.u32 s1, $0x11  }
0xbb: {  	s0 =	sor.u32 s1, s0  }
0xbc: {  	s0 =	sadd.s32 $0x8F2B, s0  }
0xbd: {  	[sflag:s0] =	ssyncadd.remote.s32 $0x1  }
0xbe: {  	_ =	sfence.sel $0xFFFF  }
0xbf: {  	[dreg:$0x0] =	wrdreg $0xFFFFFFFF;
	(pc) =	sbr.abs _section_cstart, $3  }
0xc0: {  	[dreg:$0x1] =	wrdreg $0xFFFFFFFF  }
0xc1: {  	_ =	task.clear_ibuf [dreg:s6], $0x2FFFF;
	_ =	strace $0x9FFFFFFF  }
0xc2: {  	(tm) =	ssettm $0x7FFFFFFF  }
0xc3: {  	_ =	shalt  }
tec
execute0_lowered:
.L_overlay_start_1:
0x0: {  	(tag) =	ssettag $0x1  }
0x1: {  	s0 =	srdreg.scid;
	s8 =	rddreg [dreg:$0x0]  }
0x2: {  	s15 =	stileid.u32;
	s2 =	rddreg [dreg:$0x1];
	s3 =	simm.s32 $0x0  }
0x3: {  	s13 =	simm.s32 $0x9E00;
	s14 =	simm.s32 $0x5;
	s18 =	simm.s32 $0x100  }
0x4: {  	s19 =	simm.s32 $0xEE00;
	s20 =	simm.s32 $0x16E00;
	s21 =	simm.s32 $0x1  }
0x5: {  	s22 =	simm.s32 $0x9F00;
	s23 =	simm.s32 $0x12E00;
	s28 =	simm.s32 $0xC700  }
0x6: {  	s29 =	simm.s32 $0x4;
	s30 =	simm.s32 $0x0;
	s9 =	smul.u32 $0x9E00, s15  }
0x7: {  	s0 =	sand.u32 $0x1, s0;
	[smem:$0x7FF] =	sst s3;
	s5 =	smul.u32 $0x13C0, s15  }
0x8: {  	s31 =	sshll.u32 s15, $0x6;
	s1 =	sshll.u32 s0, $0x4;
	_ =	strace $0x80000047  }
0x9: {  	s6 =	smul.u32 $0x13C00, s0;
	s0 =	ssub.s32 $0x2, s0;
	s16 =	sor.u32 $0x1C05, s31  }
0xa: {  	s1 =	sor.u32 s15, s1;
	s10 =	sshrl.u32 s9, $0x3;
	s25 =	sshrl.u32 s0, $0x1  }
0xb: {  	s17 =	sadd.s32 s9, s2;
	s15 =	simm.s32 $0xC600;
	s4 =	smul.u32 $0x2800, s1  }
0xc: {  	s5 =	sadd.s32 s5, s6;
	s24 =	smul.u32 $0x4F0, s1;
	s10 =	sadd.s32 s10, s8  }
0xd: {  	s0 =	ssub.s32 s0, s25;
	p0 =	seq.s32 s1, $0x1F;
	s17 =	sshrl.u32 s17, $0x3  }
0xe: {  	s25 =	simm.s32 $0x3;
	s11 =	sadd.s32 s5, s8;
	s9 =	sadd.s32 $0x28E00, s10  }
.Ltmp0:
0xf: {  	s4 =	sshrl.u32 s4, $0x3;
	s12 =	sadd.s32 s24, s8;
	(pc) =	sbr.rel .LBB2_1-.Ltmp0, $4  }
0x10: {  	s11 =	sadd.s32 $0x46800, s11;
	s24 =	simm.s32 $0x2;
	s7 =	sadd.s32 s4, s8  }
0x11: {  	s4 =	sadd.s32 $0x1A00, s8;
	s10 =	sadd.s32 $0x3CA00, s12;
	s12 =	smax.u32 s0, $0x1  }
0x12: {  	s26 =	sadd.s32 $0x15400, s7;
	s6 =	sadd.s32 $0x1F040, s7;
	s7 =	sadd.s32 $0x1EF00, s8  }
0x13: {  	v0 =	vlaneseq.u32;
	v1 =	vimm.f32 $0.0e+00;
	v2 =	vimm.f32 $1.000000000e+00;
	s8 =	sadd.s32 $0x28B40, s8;
	[dreg:$0x3] =	wrdreg s26;
	s26 =	simm.s32 $0xA000  }
.LBB2_13:
0x14: {  	[spmem:s2] =	stream.indirect.scatter.add.f32 [tilespmem:s23], [sflag:$0x4], $0x40, s0, s18, $0xb8;
	[tilespmem:$0x19580] =	vst v63  }
0x15: {  	_ =	swait.ge [sflag:s29], $0x4000  }
0x16: {  	[sflag:s29] =	ssyncset.done $0x0  }
0x17: {  	[sflag:s29] =	ssyncadd.s32 $0xFFFFC000  }
0x18: {  	[hbm4b:s10+s3] =	stream.linear.scatter [tilespmem:s20], [sflag:$0x5], $0x2780, $0x38;
	[tilespmem:$0x19580] =	vst v63  }
0x19: {  	_ =	swait.ge [sflag:s14], $0x2780  }
0x1a: {  	s30 =	sadd.s32 $0x1, s30;
	[sflag:s14] =	ssyncset.done $0x0  }
0x1b: {  	p1 =	sne.s32 s30, s12;
	[sflag:s14] =	ssyncadd.s32 $0xFFFFD880  }
.Ltmp1:
0x1c: {  	[bflag:$0x0] =	sbarrier.arrive $0xFFFF;
	(pc) =	sbr.rel @!p1 .LBB2_14-.Ltmp1, $4  }
0x1d: {  	[hbm:s11], [sflag:s16] =	dma.local [spmem:s17], $0x13C0  }
0x1e: {  	_ =	swait.ge [sflag:s14], $0x13C0  }
0x1f: {  	[sflag:s14] =	ssyncset.done $0x0  }
0x20: {  	[sflag:s14] =	ssyncadd.s32 $0xFFFFEC40  }
.LBB2_1:
.Ltmp2:
0x21: {  	(pc) =	sbr.rel @!p0 .LBB2_2-.Ltmp2, $1  }
0x22: {  	_ =	sdelay $0x3  }
0x23: {  	s31 =	simm.s32 $0x0  }
0x24: {  	[tilespmem:s13], [sflag:$0x5] =	stream.linear.gather [hbm4b:s7+s31], $0xA00, $0x38;
	[tilespmem:$0x19580] =	vst v63  }
0x25: {  	_ =	swait.ge [sflag:s14], $0xA00  }
0x26: {  	v3 =	vmov s31;
	[sflag:s14] =	ssyncset.done $0x0  }
0x27: {  	v3 =	vshrl.u32 v3, $0x4;
	[sflag:s14] =	ssyncadd.s32 $0xFFFFF600  }
0x28: {  	v3 =	vmulhi.u32 $0x24924925, v3;
	[tilespmem:s15], [sflag:$0x5] =	stream.linear.gather [hbm4b:s8+s31], $0xA00, $0x38;
	[tilespmem:$0x19580] =	vst v63  }
0x29: {  	_ =	swait.ge [sflag:s14], $0xA00  }
0x2a: {  	v4 =	vmul.u32 $0x70, v3;
	[sflag:s14] =	ssyncset.done $0x0  }
0x2b: {  	s1 =	simm.s32 $0x10;
	v3 =	vor.u32 s31, v0;
	[sflag:s14] =	ssyncadd.s32 $0xFFFFF600  }
.LBB2_4:
0x2c: {  	v5 =	vmov s1;
	p1 =	sne.s32 s1, $0x1DF0;
	v4 =	vsub.s32 v3, v4;
	s0 =	smov.u32 s1;
	s1 =	sadd.s32 $0x10, s1  }
.Ltmp3:
0x2d: {  	s5 =	sand.u32 $0x1FF0, s31;
	v5 =	vshrl.u32 v5, $0x4;
	v4 =	vadd.s32 $0x2710, v4;
	s31 =	smov.u32 s0;
	(pc) =	sbr.rel @p1 .LBB2_4-.Ltmp3, $4  }
0x2e: {  	v5 =	vmulhi.u32 $0x24924925, v5;
	[tilespmem:s5+$0xD000] =	vst v4  }
0x2f: {  	[tilespmem:s5+$0xA800] =	vst v3  }
0x30: {  	v4 =	vmul.u32 $0x70, v5  }
0x31: {  	v3 =	vor.u32 s31, v0  }
.Ltmp4:
0x32: {  	(pc) =	sbr.rel .LBB2_6-.Ltmp4, $4  }
0x33: {  	_ = 	snop  }
0x34: {  	v4 =	vsub.s32 v3, v4;
	s0 =	sand.u32 $0x1FF0, s31  }
0x35: {  	v4 =	vadd.s32 $0x2710, v4;
	[tilespmem:s0+$0xA800] =	vst v3  }
0x36: {  	[tilespmem:s0+$0xD000] =	vst v4  }
.LBB2_2:
0x37: {  	s0 =	rddreg [dreg:$0x3]  }
0x38: {  	[tilespmem:s13], [sflag:$0x5] =	stream.linear.gather [hbm4b:s0+s3], $0x2800, $0x38;
	[tilespmem:$0x19580] =	vst v63  }
0x39: {  	_ =	swait.ge [sflag:s14], $0x2800  }
0x3a: {  	[sflag:s14] =	ssyncset.done $0x0  }
0x3b: {  	[sflag:s14] =	ssyncadd.s32 $0xFFFFD800  }
0x3c: {  	[tilespmem:s15], [sflag:$0x5] =	stream.linear.gather [hbm4b:s6+s3], $0x2800, $0x38;
	[tilespmem:$0x19580] =	vst v63  }
0x3d: {  	_ =	swait.ge [sflag:s14], $0x2800  }
0x3e: {  	[sflag:s14] =	ssyncset.done $0x0  }
0x3f: {  	[sflag:s14] =	ssyncadd.s32 $0xFFFFD800  }
.LBB2_6:
0x40: {  	[spmem:s17], [sflag:s16] =	dma.local [hbm:s9], $0x13C0  }
0x41: {  	_ =	swait.ge [sflag:s14], $0x13C0  }
0x42: {  	s1 =	simm.s32 $0x0;
	[sflag:s14] =	ssyncset.done $0x0  }
0x43: {  	s31 =	simm.s32 $0x40;
	s0 =	simm.s32 $0x0;
	[sflag:s14] =	ssyncadd.s32 $0xFFFFEC40  }
0x44: {  	[tilespmem:s19], [sflag:$0x1] =	stream.indirect.gather [hbm4b:s4+s18], $0x40, s13, s18, $0xb8;
	[tilespmem:$0x19580] =	vst v63  }
.LBB2_7:
0x45: {  	p1 =	sne.s32 s31, $0x9DC0;
	[tilespmem:s0+$0x16E00] =	vst v1;
	s0 =	smov.u32 s31;
	s31 =	sadd.s32 $0x40, s31  }
.Ltmp5:
0x46: {  	(pc) =	sbr.rel @p1 .LBB2_7-.Ltmp5, $2  }
0x47: {  	_ =	sdelay $0x2  }
0x48: {  	s0 =	sshra.s32 s0, $0x2  }
0x49: {  	s5 =	sand.u32 $0xFC00, s1  }
0x4a: {  	s1 =	sand.u32 $0xF0, s1;
	s5 =	sshrl.u32 s5, $0x2  }
0x4b: {  	[tilespmem:s0+$0x16E00] =	vst v1;
	s1 =	sor.u32 s1, s5  }
0x4c: {  	v3 =	vld [tilespmem:s1+$0xC600];
	_ =	sdelay $0x4  }
0x4d: {  	s0 =	simm.s32 $0x40  }
0x4e: {  	s31 =	simm.s32 $0x80;
	s0 =	sand.u32 $0xFC00, s0;
	s1 =	simm.s32 $0x10  }
.LBB2_9:
0x4f: {  	p1 =	sne.s32 s31, $0x9FC0;
	s5 =	sand.u32 $0xF0, s1;
	s0 =	sshrl.u32 s0, $0x2  }
0x50: {  	s0 =	sor.u32 s5, s0;
	[tilespmem:v3+s20+$0x0] =	vst.idx.add.f32.msk $0xffff, v2  }
0x51: {  	v3 =	vld [tilespmem:s0+$0xC600];
	_ =	sdelay $0x1  }
.Ltmp6:
0x52: {  	(pc) =	sbr.rel @p1 .LBB2_9-.Ltmp6, $2  }
0x53: {  	_ =	sdelay $0x2  }
0x54: {  	s1 =	sadd.s32 $0x10, s1;
	s0 =	sand.u32 $0xFC00, s31;
	s31 =	sadd.s32 $0x40, s31  }
0x55: {  	_ =	sdelay $0x2  }
0x56: {  	s1 =	sand.u32 $0xF0, s1;
	s0 =	sshrl.u32 s0, $0x2  }
0x57: {  	[tilespmem:v3+s20+$0x0] =	vst.idx.add.f32.msk $0xffff, v2;
	s0 =	sor.u32 s1, s0  }
0x58: {  	v3 =	vld [tilespmem:s0+$0xC600];
	_ =	sdelay $0x7  }
0x59: {  	[tilespmem:v3+s20+$0x0] =	vst.idx.add.f32.msk $0xffff, v2  }
0x5a: {  	[bflag:$0x0] =	sbarrier.arrive $0xFFFF  }
0x5b: {  	_ =	swait.ge [sflag:s21], $0x4000  }
0x5c: {  	[sflag:s21] =	ssyncset.done $0x0  }
0x5d: {  	[sflag:s21] =	ssyncadd.s32 $0xFFFFC000  }
0x5e: {  	[tilespmem:s23], [sflag:$0x2] =	stream.indirect.gather [hbm4b:s4+s18], $0x40, s22, s18, $0xb8;
	[tilespmem:$0x19580] =	vst v63  }
0x5f: {  	_ = 	snop  }
0x60: {  	[spmem:s2] =	stream.indirect.scatter.add.f32 [tilespmem:s19], [sflag:$0x3], $0x40, s15, s18, $0xb8;
	[tilespmem:$0x19580] =	vst v63  }
0x61: {  	_ =	swait.ge [sflag:s24], $0x4000  }
0x62: {  	[sflag:s24] =	ssyncset.done $0x0  }
0x63: {  	[sflag:s24] =	ssyncadd.s32 $0xFFFFC000  }
0x64: {  	_ =	swait.ge [sflag:s25], $0x4000  }
0x65: {  	[sflag:s25] =	ssyncset.done $0x0  }
0x66: {  	[sflag:s25] =	ssyncadd.s32 $0xFFFFC000  }
0x67: {  	[tilespmem:s19], [sflag:$0x1] =	stream.indirect.gather [hbm4b:s4+s18], $0x40, s26, s18, $0xb8;
	[tilespmem:$0x19580] =	vst v63  }
0x68: {  	s31 =	simm.s32 $0xFFFF7000  }
0x69: {  	[spmem:s2] =	stream.indirect.scatter.add.f32 [tilespmem:s23], [sflag:$0x4], $0x40, s28, s18, $0xb8;
	[tilespmem:$0x19580] =	vst v63  }
.LBB2_11:
0x6a: {  	_ =	swait.ge [sflag:s21], $0x4000  }
0x6b: {  	[sflag:s21] =	ssyncset.done $0x0  }
0x6c: {  	[sflag:s21] =	ssyncadd.s32 $0xFFFFC000  }
0x6d: {  	_ =	swait.ge [sflag:s29], $0x4000  }
0x6e: {  	s1 =	sshra.s32 s31, $0x2;
	[sflag:s29] =	ssyncset.done $0x0  }
0x6f: {  	s0 =	sadd.s32 $0xC500, s1;
	[sflag:s29] =	ssyncadd.s32 $0xFFFFC000  }
0x70: {  	[tilespmem:s23], [sflag:$0x2] =	stream.indirect.gather [hbm4b:s4+s18], $0x40, s0, s18, $0xb8;
	[tilespmem:$0x19580] =	vst v63  }
0x71: {  	s5 =	sadd.s32 $0xEC00, s1  }
0x72: {  	[spmem:s2] =	stream.indirect.scatter.add.f32 [tilespmem:s19], [sflag:$0x3], $0x40, s5, s18, $0xb8;
	[tilespmem:$0x19580] =	vst v63  }
0x73: {  	p1 =	seq.s32 s31, $0x0;
	_ =	swait.ge [sflag:s24], $0x4000  }
.Ltmp7:
0x74: {  	[sflag:s24] =	ssyncset.done $0x0;
	(pc) =	sbr.rel @p1 .LBB2_13-.Ltmp7, $4  }
0x75: {  	[sflag:s24] =	ssyncadd.s32 $0xFFFFC000  }
0x76: {  	_ =	swait.ge [sflag:s25], $0x4000  }
0x77: {  	[sflag:s25] =	ssyncset.done $0x0  }
0x78: {  	s0 =	sadd.s32 $0xED00, s1;
	[sflag:s25] =	ssyncadd.s32 $0xFFFFC000  }
.Ltmp8:
0x79: {  	(pc) =	sbr.rel .LBB2_11-.Ltmp8, $4  }
0x7a: {  	s1 =	sadd.s32 $0xC600, s1  }
0x7b: {  	[tilespmem:s19], [sflag:$0x1] =	stream.indirect.gather [hbm4b:s4+s18], $0x40, s1, s18, $0xb8;
	[tilespmem:$0x19580] =	vst v63  }
0x7c: {  	s31 =	sadd.s32 $0x800, s31  }
0x7d: {  	[spmem:s2] =	stream.indirect.scatter.add.f32 [tilespmem:s23], [sflag:$0x4], $0x40, s0, s18, $0xb8;
	[tilespmem:$0x19580] =	vst v63  }
.LBB2_14:
0x7e: {  	_ =	sfence.sel $0x180000  }
0x7f: {  	[bflag:$0x0] =	sbarrier.arrive $0xFFFF  }
0x80: {  	_ =	strace $0x90000047  }
0x81: {  	s0 =	stileid.u32;
	[bflag:$0x2] =	sbarrier.arrive $0xFFFF  }
0x82: {  	p0 =	sne.s32 s0, $0x0;
	s0 =	rddreg [dreg:$0x2]  }
0x83: {  	s0 =	sadd.s32 @!p0 $0x100000, s0  }
0x84: {  	[sflag:s0] =	ssyncadd.tile.s32 @!p0 $0x1;
	_ =	shalt  }
.Lfunc_end2:
_tile_overlayer_lowered:
.L_overlay_start_2:
0x85: {  	(tag) =	ssettag $0x2  }
0x86: {  	s0 =	rddreg [dreg:$0x0];
	s2 =	stileid.u32  }
0x87: {  	s1 =	rddreg [dreg:$0x1];
	p0 =	sne.s32 s2, $0x0  }
0x88: {  	s3 =	rddreg [dreg:$0x2];
	[bflag:$0x3] =	sbarrier.arrive $0xFFFF;
	s2 =	simm.s32 @!p0 $0x1C05  }
0x89: {  	[timem:s3], [sflag:s2] =	dma.local @!p0 [hbm:s0], s1  }
0x8a: {  	s0 =	simm.s32 @!p0 $0x5  }
0x8b: {  	_ =	swait.ge @!p0 [sflag:s0], s1  }
0x8c: {  	s1 =	ssub.s32 @!p0 $0x0, s1;
	[sflag:s0] =	ssyncset.done @!p0 $0x0  }
0x8d: {  	[sflag:s0] =	ssyncadd.s32 @!p0 s1  }
0x8e: {  	[bflag:$0x3] =	sbarrier.arrive $0xFFFF  }
0x8f: {  	_ =	shalt  }

</sc_bundles>
